<compile_context>
chip_gen: v7x
topology: tpu7x:2x2x1
jax: 0.10.2.dev20260603
libtpu: 0.0.44.dev20260713+nightly
codegen_flags: <defaults>
</compile_context>

<pallas_src>
import functools

import jax
import jax.numpy as jnp
from jax import lax
from jax.experimental import pallas as pl
from jax.experimental.pallas import tpu as pltpu
from jax.experimental.pallas import tpu_sc as plsc

N = 10000
E = 320000
D_IN = 128
D_HID = 5
D_OUT = 40

NC = 2
NS = 16
NW = NC * NS
EPW = E // NW
L = 16

_mesh = plsc.VectorSubcoreMesh(
    core_axis_name="c", subcore_axis_name="s", num_cores=NC, num_subcores=NS
)

_sc_params = pltpu.CompilerParams(needs_layout_passes=False)


def _worker_id():
    return lax.axis_index("s") * NC + lax.axis_index("c")


@functools.partial(
    pl.kernel,
    out_type=jax.ShapeDtypeStruct((NW, N), jnp.float32),
    mesh=_mesh,
    scratch_types=[
        pltpu.VMEM((EPW,), jnp.int32),
        pltpu.VMEM((N,), jnp.float32),
        pltpu.SemaphoreType.DMA,
    ],
    compiler_params=_sc_params,
)
def _deg_kernel(ei_hbm, out_hbm, dst_v, acc_v, sem):
    wid = _worker_id()
    base = wid * EPW
    cp = pltpu.async_copy(ei_hbm.at[pl.ds(E + base, EPW)], dst_v, sem)

    zeros = jnp.zeros((L,), jnp.float32)

    def zbody(i, _):
        acc_v[pl.ds(i * L, L)] = zeros
        return 0

    lax.fori_loop(0, N // L, zbody, 0, unroll=25)
    cp.wait()

    ones = jnp.ones((L,), jnp.float32)

    @plsc.parallel_loop(0, EPW // L, unroll=8)
    def _(i):
        d = dst_v[pl.ds(i * L, L)]
        plsc.addupdate_scatter(acc_v, [d], ones)

    pltpu.sync_copy(acc_v, out_hbm.at[wid])


@functools.partial(
    pl.kernel,
    out_type=jax.ShapeDtypeStruct((NW, D_HID * N), jnp.float32),
    mesh=_mesh,
    scratch_types=[
        pltpu.VMEM((D_HID * N,), jnp.float32),
        pltpu.VMEM((EPW,), jnp.int32),
        pltpu.VMEM((EPW,), jnp.int32),
        pltpu.VMEM((D_HID * N,), jnp.float32),
        pltpu.SemaphoreType.DMA,
        pltpu.SemaphoreType.DMA,
        pltpu.SemaphoreType.DMA,
    ],
    compiler_params=_sc_params,
)
def _scatter_kernel(
    g_hbm, ei_hbm, out_hbm, g_v, src_v, dst_v, acc_v, sem_g, sem_s, sem_d
):
    wid = _worker_id()
    base = wid * EPW
    cp_g = pltpu.async_copy(g_hbm.at[0], g_v, sem_g)
    cp_s = pltpu.async_copy(ei_hbm.at[pl.ds(base, EPW)], src_v, sem_s)
    cp_d = pltpu.async_copy(ei_hbm.at[pl.ds(E + base, EPW)], dst_v, sem_d)

    zeros = jnp.zeros((L,), jnp.float32)

    def zbody(i, _):
        acc_v[pl.ds(i * L, L)] = zeros
        return 0

    lax.fori_loop(0, D_HID * N // L, zbody, 0, unroll=25)
    cp_g.wait()
    cp_s.wait()
    cp_d.wait()

    @plsc.parallel_loop(0, EPW // L, unroll=4)
    def _(i):
        s = src_v[pl.ds(i * L, L)]
        d = dst_v[pl.ds(i * L, L)]
        for j in range(D_HID):
            v = plsc.load_gather(g_v, [s + (j * N)])
            plsc.addupdate_scatter(acc_v, [d + (j * N)], v)

    pltpu.sync_copy(acc_v, out_hbm.at[wid])


def _tc_mm_body(x_ref, w1_ref, h1_ref):
    h1_ref[:] = lax.dot_general(
        w1_ref[:], x_ref[:],
        dimension_numbers=(((0,), (1,)), ((), ())),
        preferred_element_type=jnp.float32,
    )


def _flatten_rows(a):
    return jnp.concatenate([a[j:j + 1, :] for j in range(D_HID)], axis=1)


def _unflatten_rows(a):
    return jnp.concatenate(
        [a[:, j * N:(j + 1) * N] for j in range(D_HID)], axis=0
    )


def _tc1_body(h1_ref, pd_ref, g1_ref, dinv_ref):
    deg = jnp.sum(pd_ref[:], axis=0, keepdims=True) + 1.0
    dinv = lax.rsqrt(deg)
    g1_ref[:] = _flatten_rows(h1_ref[:] * dinv)
    dinv_ref[:] = dinv


_RB = 16
_RSTEPS = NW // _RB


def _tc2_body(p1_ref, g1_ref, dinv_ref, b1_ref, g2_ref, acc_ref):
    i = pl.program_id(0)
    part = jnp.sum(p1_ref[:], axis=0, keepdims=True)

    @pl.when(i == 0)
    def _():
        acc_ref[:] = part

    @pl.when(i > 0)
    def _():
        acc_ref[:] = acc_ref[:] + part

    @pl.when(i == _RSTEPS - 1)
    def _():
        dinv_rep = jnp.concatenate([dinv_ref[:]] * D_HID, axis=1)
        b1_rep = jnp.concatenate(
            [jnp.full((1, N), b1_ref[j, 0], jnp.float32) for j in range(D_HID)],
            axis=1,
        )
        out1 = dinv_rep * (acc_ref[:] + g1_ref[:]) + b1_rep
        r1 = jnp.maximum(out1, 0.0)
        g2_ref[:] = r1 * dinv_rep


def _tc3_body(p2_ref, g2_ref, dinv_ref, w2_ref, b2_ref, out_ref, acc_ref):
    i = pl.program_id(0)
    part = jnp.sum(p2_ref[:], axis=0, keepdims=True)

    @pl.when(i == 0)
    def _():
        acc_ref[:] = part

    @pl.when(i > 0)
    def _():
        acc_ref[:] = acc_ref[:] + part

    @pl.when(i == _RSTEPS - 1)
    def _():
        dinv_rep = jnp.concatenate([dinv_ref[:]] * D_HID, axis=1)
        agg = _unflatten_rows(dinv_rep * (acc_ref[:] + g2_ref[:]))
        o = lax.dot_general(
            w2_ref[:], agg,
            dimension_numbers=(((0,), (0,)), ((), ())),
            preferred_element_type=jnp.float32,
        )
        o = o + b2_ref[:]
        m = jnp.max(o, axis=0, keepdims=True)
        lse = jnp.log(jnp.sum(jnp.exp(o - m), axis=0, keepdims=True)) + m
        out_ref[:] = o - lse


_tc_mm = pl.pallas_call(
    _tc_mm_body,
    out_shape=jax.ShapeDtypeStruct((D_HID, N), jnp.float32),
)

_tc1 = pl.pallas_call(
    _tc1_body,
    out_shape=(
        jax.ShapeDtypeStruct((1, D_HID * N), jnp.float32),
        jax.ShapeDtypeStruct((1, N), jnp.float32),
    ),
)

_tc2 = pl.pallas_call(
    _tc2_body,
    grid=(_RSTEPS,),
    in_specs=[
        pl.BlockSpec((_RB, D_HID * N), lambda i: (i, 0)),
        pl.BlockSpec((1, D_HID * N), lambda i: (0, 0)),
        pl.BlockSpec((1, N), lambda i: (0, 0)),
        pl.BlockSpec((D_HID, 1), lambda i: (0, 0)),
    ],
    out_specs=pl.BlockSpec((1, D_HID * N), lambda i: (0, 0)),
    out_shape=jax.ShapeDtypeStruct((1, D_HID * N), jnp.float32),
    scratch_shapes=[pltpu.VMEM((1, D_HID * N), jnp.float32)],
)

_tc3 = pl.pallas_call(
    _tc3_body,
    grid=(_RSTEPS,),
    in_specs=[
        pl.BlockSpec((_RB, D_HID * N), lambda i: (i, 0)),
        pl.BlockSpec((1, D_HID * N), lambda i: (0, 0)),
        pl.BlockSpec((1, N), lambda i: (0, 0)),
        pl.BlockSpec((D_HID, D_OUT), lambda i: (0, 0)),
        pl.BlockSpec((D_OUT, 1), lambda i: (0, 0)),
    ],
    out_specs=pl.BlockSpec((D_OUT, N), lambda i: (0, 0)),
    out_shape=jax.ShapeDtypeStruct((D_OUT, N), jnp.float32),
    scratch_shapes=[pltpu.VMEM((1, D_HID * N), jnp.float32)],
)


@jax.jit
def kernel(x, edge_index, W1, b1, W2, b2):
    ei = edge_index.astype(jnp.int32).reshape(-1)

    pd = _deg_kernel(ei)
    h1T = _tc_mm(x, W1)
    g1f, dinv = _tc1(h1T, pd)
    p1 = _scatter_kernel(g1f, ei)
    g2f = _tc2(p1, g1f, dinv, b1.reshape(D_HID, 1))
    p2 = _scatter_kernel(g2f, ei)
    outT = _tc3(p2, g2f, dinv, W2, b2.reshape(D_OUT, 1))
    return outT.T

# --- scband reference (transcript-rebuilt; emitter-appended) ---
"""Pipeline reference for scband-gcn-1589137899719 (READ-ONLY COPY).

The authoritative reference and input builder live on the scoring server;
editing this copy changes nothing except your own understanding.
"""

import jax, jax.numpy as jnp
import numpy as np

N_NODES = 10000
N_EDGES = 320000
D_IN = 128
D_HID = 5
D_OUT = 40


def setup_inputs(seed: int = 0) -> dict:
    key = jax.random.key(seed)
    k1, k2, k3, k4, k5, k6 = jax.random.split(key, 6)
    x = jax.random.normal(k1, (N_NODES, D_IN), dtype=jnp.float32)
    edge_index = jax.random.randint(k2, (2, N_EDGES), 0, N_NODES, dtype=jnp.int64)
    # Glorot-style init for GCNConv weights, zeros for bias (PyG default)
    W1 = jax.random.normal(k3, (D_IN, D_HID), dtype=jnp.float32) * (1.0 / np.sqrt(D_IN))
    b1 = jnp.zeros((D_HID,), dtype=jnp.float32)
    W2 = jax.random.normal(k4, (D_HID, D_OUT), dtype=jnp.float32) * (1.0 / np.sqrt(D_HID))
    b2 = jnp.zeros((D_OUT,), dtype=jnp.float32)
    return {"x": x, "edge_index": edge_index, "W1": W1, "b1": b1, "W2": W2, "b2": b2}


def _gcn_conv(x, edge_index, W, b, num_nodes):
    # Faithful to PyG GCNConv defaults: add self loops, symmetric normalization,
    # message = norm * (x W), aggregate = scatter-add over dst, then + bias.
    src = edge_index[0]
    dst = edge_index[1]
    loop = jnp.arange(num_nodes, dtype=edge_index.dtype)
    src = jnp.concatenate([src, loop])
    dst = jnp.concatenate([dst, loop])
    ones = jnp.ones(src.shape[0], dtype=x.dtype)
    deg = jnp.zeros((num_nodes,), dtype=x.dtype).at[dst].add(ones)
    dinv = jnp.where(deg > 0, deg ** -0.5, 0.0)
    norm = dinv[src] * dinv[dst]
    h = x @ W
    msg = h[src] * norm[:, None]
    out = jnp.zeros((num_nodes, W.shape[1]), dtype=x.dtype).at[dst].add(msg)
    return out + b


def reference(x, edge_index, W1, b1, W2, b2):
    n = x.shape[0]
    h = _gcn_conv(x, edge_index, W1, b1, n)
    h = jax.nn.relu(h)
    h = _gcn_conv(h, edge_index, W2, b2, n)
    return jax.nn.log_softmax(h, axis=1)

if __name__ == "__main__":
    import jax
    _d = setup_inputs()
    print(jax.jit(kernel)(*tuple(_d.values())))

</pallas_src>

<mosaic_0001>
#map = affine_map<(d0, d1) -> (0, 0)>
#map1 = affine_map<(d0, d1) -> (0)>
module attributes {stable_mosaic.version = 14 : i64} {
  func.func @_scatter_kernel(%arg0: i32, %arg1: i32, %arg2: memref<1x50000xf32, #tpu.memory_space<hbm>>, %arg3: memref<640000xi32, #tpu.memory_space<hbm>>, %arg4: memref<32x50000xf32, #tpu.memory_space<hbm>>, %arg5: memref<50000xf32, #tpu.memory_space<vmem>>, %arg6: memref<10000xi32, #tpu.memory_space<vmem>>, %arg7: memref<10000xi32, #tpu.memory_space<vmem>>, %arg8: memref<50000xf32, #tpu.memory_space<vmem>>, %arg9: memref<!tpu.dma_semaphore, #tpu.memory_space<semaphore_mem>>, %arg10: memref<!tpu.dma_semaphore, #tpu.memory_space<semaphore_mem>>, %arg11: memref<!tpu.dma_semaphore, #tpu.memory_space<semaphore_mem>>) attributes {dimension_semantics = [#tpu.dimension_semantics<core_parallel>, #tpu.dimension_semantics<subcore_parallel>], iteration_bounds = array<i64: 2, 16>, scalar_prefetch = 0 : i64, scratch_operands = 7 : i64, tpu.core_type = #tpu.core_type<sc_vector_subcore>, window_params = [{transform_indices = #map}, {transform_indices = #map1}, {transform_indices = #map}]} {
    %mul3A = arith.constant 2 : i32
    %mul3A_0 = arith.muli %arg1, %mul3A : i32
    %add3A = arith.addi %mul3A_0, %arg0 : i32
    %mul3A_1 = arith.constant 10000 : i32
    %mul3A_2 = arith.muli %add3A, %mul3A_1 : i32
    %dma_start3A = arith.constant 0 : i32
    %dma_start3A_3 = arith.constant 0 : i32
    %dma_start3A_4 = tpu.memref_slice %arg2[%dma_start3A, %dma_start3A_3] : memref<1x50000xf32, #tpu.memory_space<hbm>> -> memref<1x50000xf32, #tpu.memory_space<hbm>>
    %dma_start3A_5 = tpu.memref_squeeze %dma_start3A_4 : memref<1x50000xf32, #tpu.memory_space<hbm>> -> memref<50000xf32, #tpu.memory_space<hbm>>
    %dma_start3A_6 = arith.constant 0 : i32
    %dma_start3A_7 = tpu.memref_slice %arg2[%dma_start3A, %dma_start3A_6] : memref<1x50000xf32, #tpu.memory_space<hbm>> -> memref<1x50000xf32, #tpu.memory_space<hbm>>
    %dma_start3A_8 = tpu.memref_squeeze %dma_start3A_7 : memref<1x50000xf32, #tpu.memory_space<hbm>> -> memref<50000xf32, #tpu.memory_space<hbm>>
    tpu.enqueue_dma source(%dma_start3A_8 : memref<50000xf32, #tpu.memory_space<hbm>>) target(%arg5 : memref<50000xf32, #tpu.memory_space<vmem>>) target_semaphore(%arg9 : memref<!tpu.dma_semaphore, #tpu.memory_space<semaphore_mem>>)
    %dma_start3A_9 = tpu.memref_slice %arg3[%mul3A_2] : memref<640000xi32, #tpu.memory_space<hbm>> -> memref<10000xi32, #tpu.memory_space<hbm>>
    %dma_start3A_10 = tpu.memref_slice %arg3[%mul3A_2] : memref<640000xi32, #tpu.memory_space<hbm>> -> memref<10000xi32, #tpu.memory_space<hbm>>
    tpu.enqueue_dma source(%dma_start3A_10 : memref<10000xi32, #tpu.memory_space<hbm>>) target(%arg6 : memref<10000xi32, #tpu.memory_space<vmem>>) target_semaphore(%arg10 : memref<!tpu.dma_semaphore, #tpu.memory_space<semaphore_mem>>)
    %add3A_11 = arith.constant 320000 : i32
    %add3A_12 = arith.addi %add3A_11, %mul3A_2 : i32
    %dma_start3A_13 = tpu.memref_slice %arg3[%add3A_12] : memref<640000xi32, #tpu.memory_space<hbm>> -> memref<10000xi32, #tpu.memory_space<hbm>>
    %dma_start3A_14 = tpu.memref_slice %arg3[%add3A_12] : memref<640000xi32, #tpu.memory_space<hbm>> -> memref<10000xi32, #tpu.memory_space<hbm>>
    tpu.enqueue_dma source(%dma_start3A_14 : memref<10000xi32, #tpu.memory_space<hbm>>) target(%arg7 : memref<10000xi32, #tpu.memory_space<vmem>>) target_semaphore(%arg11 : memref<!tpu.dma_semaphore, #tpu.memory_space<semaphore_mem>>)
    %broadcast_in_dim3A = arith.constant 0.000000e+00 : f32
    %broadcast_in_dim3A_15 = vector.broadcast %broadcast_in_dim3A : f32 to vector<16xf32>
    %scan3A = arith.constant 0 : i32
    %scan3A_16 = arith.constant 0 : i32
    %scan3A_17 = arith.constant 3125 : i32
    %scan3A_18 = arith.addi %scan3A_16, %scan3A_17 : i32
    %scan3A_19 = arith.constant 25 : i32
    %scan3A_20 = scf.for %scan3A_34 = %scan3A_16 to %scan3A_18 step %scan3A_19 iter_args(%scan3A_35 = %scan3A) -> (i32)  : i32 {
      %mul3A_36 = arith.constant 16 : i32
      %mul3A_37 = arith.muli %scan3A_34, %mul3A_36 : i32
      %swap3A = arith.index_cast %mul3A_37 : i32 to index
      %swap3A_38 = tpu.vector_load %arg8[%swap3A] {strides = array<i32>} : memref<50000xf32, #tpu.memory_space<vmem>>, vector<16xf32>,
      tpu.vector_store %arg8[%swap3A], %broadcast_in_dim3A_15 {strides = array<i32>} : memref<50000xf32, #tpu.memory_space<vmem>>, vector<16xf32>,
      %scan3A_39 = arith.constant 0 : i32
      %scan3A_40 = arith.constant 1 : i32
      %scan3A_41 = arith.addi %scan3A_34, %scan3A_40 : i32
      %mul3A_42 = arith.constant 16 : i32
      %mul3A_43 = arith.muli %scan3A_41, %mul3A_42 : i32
      %swap3A_44 = arith.index_cast %mul3A_43 : i32 to index
      %swap3A_45 = tpu.vector_load %arg8[%swap3A_44] {strides = array<i32>} : memref<50000xf32, #tpu.memory_space<vmem>>, vector<16xf32>,
      tpu.vector_store %arg8[%swap3A_44], %broadcast_in_dim3A_15 {strides = array<i32>} : memref<50000xf32, #tpu.memory_space<vmem>>, vector<16xf32>,
      %scan3A_46 = arith.constant 0 : i32
      %scan3A_47 = arith.constant 2 : i32
      %scan3A_48 = arith.addi %scan3A_34, %scan3A_47 : i32
      %mul3A_49 = arith.constant 16 : i32
      %mul3A_50 = arith.muli %scan3A_48, %mul3A_49 : i32
      %swap3A_51 = arith.index_cast %mul3A_50 : i32 to index
      %swap3A_52 = tpu.vector_load %arg8[%swap3A_51] {strides = array<i32>} : memref<50000xf32, #tpu.memory_space<vmem>>, vector<16xf32>,
      tpu.vector_store %arg8[%swap3A_51], %broadcast_in_dim3A_15 {strides = array<i32>} : memref<50000xf32, #tpu.memory_space<vmem>>, vector<16xf32>,
      %scan3A_53 = arith.constant 0 : i32
      %scan3A_54 = arith.constant 3 : i32
      %scan3A_55 = arith.addi %scan3A_34, %scan3A_54 : i32
      %mul3A_56 = arith.constant 16 : i32
      %mul3A_57 = arith.muli %scan3A_55, %mul3A_56 : i32
      %swap3A_58 = arith.index_cast %mul3A_57 : i32 to index
      %swap3A_59 = tpu.vector_load %arg8[%swap3A_58] {strides = array<i32>} : memref<50000xf32, #tpu.memory_space<vmem>>, vector<16xf32>,
      tpu.vector_store %arg8[%swap3A_58], %broadcast_in_dim3A_15 {strides = array<i32>} : memref<50000xf32, #tpu.memory_space<vmem>>, vector<16xf32>,
      %scan3A_60 = arith.constant 0 : i32
      %scan3A_61 = arith.constant 4 : i32
      %scan3A_62 = arith.addi %scan3A_34, %scan3A_61 : i32
      %mul3A_63 = arith.constant 16 : i32
      %mul3A_64 = arith.muli %scan3A_62, %mul3A_63 : i32
      %swap3A_65 = arith.index_cast %mul3A_64 : i32 to index
      %swap3A_66 = tpu.vector_load %arg8[%swap3A_65] {strides = array<i32>} : memref<50000xf32, #tpu.memory_space<vmem>>, vector<16xf32>,
      tpu.vector_store %arg8[%swap3A_65], %broadcast_in_dim3A_15 {strides = array<i32>} : memref<50000xf32, #tpu.memory_space<vmem>>, vector<16xf32>,
      %scan3A_67 = arith.constant 0 : i32
      %scan3A_68 = arith.constant 5 : i32
      %scan3A_69 = arith.addi %scan3A_34, %scan3A_68 : i32
      %mul3A_70 = arith.constant 16 : i32
      %mul3A_71 = arith.muli %scan3A_69, %mul3A_70 : i32
      %swap3A_72 = arith.index_cast %mul3A_71 : i32 to index
      %swap3A_73 = tpu.vector_load %arg8[%swap3A_72] {strides = array<i32>} : memref<50000xf32, #tpu.memory_space<vmem>>, vector<16xf32>,
      tpu.vector_store %arg8[%swap3A_72], %broadcast_in_dim3A_15 {strides = array<i32>} : memref<50000xf32, #tpu.memory_space<vmem>>, vector<16xf32>,
      %scan3A_74 = arith.constant 0 : i32
      %scan3A_75 = arith.constant 6 : i32
      %scan3A_76 = arith.addi %scan3A_34, %scan3A_75 : i32
      %mul3A_77 = arith.constant 16 : i32
      %mul3A_78 = arith.muli %scan3A_76, %mul3A_77 : i32
      %swap3A_79 = arith.index_cast %mul3A_78 : i32 to index
      %swap3A_80 = tpu.vector_load %arg8[%swap3A_79] {strides = array<i32>} : memref<50000xf32, #tpu.memory_space<vmem>>, vector<16xf32>,
      tpu.vector_store %arg8[%swap3A_79], %broadcast_in_dim3A_15 {strides = array<i32>} : memref<50000xf32, #tpu.memory_space<vmem>>, vector<16xf32>,
      %scan3A_81 = arith.constant 0 : i32
      %scan3A_82 = arith.constant 7 : i32
      %scan3A_83 = arith.addi %scan3A_34, %scan3A_82 : i32
      %mul3A_84 = arith.constant 16 : i32
      %mul3A_85 = arith.muli %scan3A_83, %mul3A_84 : i32
      %swap3A_86 = arith.index_cast %mul3A_85 : i32 to index
      %swap3A_87 = tpu.vector_load %arg8[%swap3A_86] {strides = array<i32>} : memref<50000xf32, #tpu.memory_space<vmem>>, vector<16xf32>,
      tpu.vector_store %arg8[%swap3A_86], %broadcast_in_dim3A_15 {strides = array<i32>} : memref<50000xf32, #tpu.memory_space<vmem>>, vector<16xf32>,
      %scan3A_88 = arith.constant 0 : i32
      %scan3A_89 = arith.constant 8 : i32
      %scan3A_90 = arith.addi %scan3A_34, %scan3A_89 : i32
      %mul3A_91 = arith.constant 16 : i32
      %mul3A_92 = arith.muli %scan3A_90, %mul3A_91 : i32
      %swap3A_93 = arith.index_cast %mul3A_92 : i32 to index
      %swap3A_94 = tpu.vector_load %arg8[%swap3A_93] {strides = array<i32>} : memref<50000xf32, #tpu.memory_space<vmem>>, vector<16xf32>,
      tpu.vector_store %arg8[%swap3A_93], %broadcast_in_dim3A_15 {strides = array<i32>} : memref<50000xf32, #tpu.memory_space<vmem>>, vector<16xf32>,
      %scan3A_95 = arith.constant 0 : i32
      %scan3A_96 = arith.constant 9 : i32
      %scan3A_97 = arith.addi %scan3A_34, %scan3A_96 : i32
      %mul3A_98 = arith.constant 16 : i32
      %mul3A_99 = arith.muli %scan3A_97, %mul3A_98 : i32
      %swap3A_100 = arith.index_cast %mul3A_99 : i32 to index
      %swap3A_101 = tpu.vector_load %arg8[%swap3A_100] {strides = array<i32>} : memref<50000xf32, #tpu.memory_space<vmem>>, vector<16xf32>,
      tpu.vector_store %arg8[%swap3A_100], %broadcast_in_dim3A_15 {strides = array<i32>} : memref<50000xf32, #tpu.memory_space<vmem>>, vector<16xf32>,
      %scan3A_102 = arith.constant 0 : i32
      %scan3A_103 = arith.constant 10 : i32
      %scan3A_104 = arith.addi %scan3A_34, %scan3A_103 : i32
      %mul3A_105 = arith.constant 16 : i32
      %mul3A_106 = arith.muli %scan3A_104, %mul3A_105 : i32
      %swap3A_107 = arith.index_cast %mul3A_106 : i32 to index
      %swap3A_108 = tpu.vector_load %arg8[%swap3A_107] {strides = array<i32>} : memref<50000xf32, #tpu.memory_space<vmem>>, vector<16xf32>,
      tpu.vector_store %arg8[%swap3A_107], %broadcast_in_dim3A_15 {strides = array<i32>} : memref<50000xf32, #tpu.memory_space<vmem>>, vector<16xf32>,
      %scan3A_109 = arith.constant 0 : i32
      %scan3A_110 = arith.constant 11 : i32
      %scan3A_111 = arith.addi %scan3A_34, %scan3A_110 : i32
      %mul3A_112 = arith.constant 16 : i32
      %mul3A_113 = arith.muli %scan3A_111, %mul3A_112 : i32
      %swap3A_114 = arith.index_cast %mul3A_113 : i32 to index
      %swap3A_115 = tpu.vector_load %arg8[%swap3A_114] {strides = array<i32>} : memref<50000xf32, #tpu.memory_space<vmem>>, vector<16xf32>,
      tpu.vector_store %arg8[%swap3A_114], %broadcast_in_dim3A_15 {strides = array<i32>} : memref<50000xf32, #tpu.memory_space<vmem>>, vector<16xf32>,
      %scan3A_116 = arith.constant 0 : i32
      %scan3A_117 = arith.constant 12 : i32
      %scan3A_118 = arith.addi %scan3A_34, %scan3A_117 : i32
      %mul3A_119 = arith.constant 16 : i32
      %mul3A_120 = arith.muli %scan3A_118, %mul3A_119 : i32
      %swap3A_121 = arith.index_cast %mul3A_120 : i32 to index
      %swap3A_122 = tpu.vector_load %arg8[%swap3A_121] {strides = array<i32>} : memref<50000xf32, #tpu.memory_space<vmem>>, vector<16xf32>,
      tpu.vector_store %arg8[%swap3A_121], %broadcast_in_dim3A_15 {strides = array<i32>} : memref<50000xf32, #tpu.memory_space<vmem>>, vector<16xf32>,
      %scan3A_123 = arith.constant 0 : i32
      %scan3A_124 = arith.constant 13 : i32
      %scan3A_125 = arith.addi %scan3A_34, %scan3A_124 : i32
      %mul3A_126 = arith.constant 16 : i32
      %mul3A_127 = arith.muli %scan3A_125, %mul3A_126 : i32
      %swap3A_128 = arith.index_cast %mul3A_127 : i32 to index
      %swap3A_129 = tpu.vector_load %arg8[%swap3A_128] {strides = array<i32>} : memref<50000xf32, #tpu.memory_space<vmem>>, vector<16xf32>,
      tpu.vector_store %arg8[%swap3A_128], %broadcast_in_dim3A_15 {strides = array<i32>} : memref<50000xf32, #tpu.memory_space<vmem>>, vector<16xf32>,
      %scan3A_130 = arith.constant 0 : i32
      %scan3A_131 = arith.constant 14 : i32
      %scan3A_132 = arith.addi %scan3A_34, %scan3A_131 : i32
      %mul3A_133 = arith.constant 16 : i32
      %mul3A_134 = arith.muli %scan3A_132, %mul3A_133 : i32
      %swap3A_135 = arith.index_cast %mul3A_134 : i32 to index
      %swap3A_136 = tpu.vector_load %arg8[%swap3A_135] {strides = array<i32>} : memref<50000xf32, #tpu.memory_space<vmem>>, vector<16xf32>,
      tpu.vector_store %arg8[%swap3A_135], %broadcast_in_dim3A_15 {strides = array<i32>} : memref<50000xf32, #tpu.memory_space<vmem>>, vector<16xf32>,
      %scan3A_137 = arith.constant 0 : i32
      %scan3A_138 = arith.constant 15 : i32
      %scan3A_139 = arith.addi %scan3A_34, %scan3A_138 : i32
      %mul3A_140 = arith.constant 16 : i32
      %mul3A_141 = arith.muli %scan3A_139, %mul3A_140 : i32
      %swap3A_142 = arith.index_cast %mul3A_141 : i32 to index
      %swap3A_143 = tpu.vector_load %arg8[%swap3A_142] {strides = array<i32>} : memref<50000xf32, #tpu.memory_space<vmem>>, vector<16xf32>,
      tpu.vector_store %arg8[%swap3A_142], %broadcast_in_dim3A_15 {strides = array<i32>} : memref<50000xf32, #tpu.memory_space<vmem>>, vector<16xf32>,
      %scan3A_144 = arith.constant 0 : i32
      %scan3A_145 = arith.constant 16 : i32
      %scan3A_146 = arith.addi %scan3A_34, %scan3A_145 : i32
      %mul3A_147 = arith.constant 16 : i32
      %mul3A_148 = arith.muli %scan3A_146, %mul3A_147 : i32
      %swap3A_149 = arith.index_cast %mul3A_148 : i32 to index
      %swap3A_150 = tpu.vector_load %arg8[%swap3A_149] {strides = array<i32>} : memref<50000xf32, #tpu.memory_space<vmem>>, vector<16xf32>,
      tpu.vector_store %arg8[%swap3A_149], %broadcast_in_dim3A_15 {strides = array<i32>} : memref<50000xf32, #tpu.memory_space<vmem>>, vector<16xf32>,
      %scan3A_151 = arith.constant 0 : i32
      %scan3A_152 = arith.constant 17 : i32
      %scan3A_153 = arith.addi %scan3A_34, %scan3A_152 : i32
      %mul3A_154 = arith.constant 16 : i32
      %mul3A_155 = arith.muli %scan3A_153, %mul3A_154 : i32
      %swap3A_156 = arith.index_cast %mul3A_155 : i32 to index
      %swap3A_157 = tpu.vector_load %arg8[%swap3A_156] {strides = array<i32>} : memref<50000xf32, #tpu.memory_space<vmem>>, vector<16xf32>,
      tpu.vector_store %arg8[%swap3A_156], %broadcast_in_dim3A_15 {strides = array<i32>} : memref<50000xf32, #tpu.memory_space<vmem>>, vector<16xf32>,
      %scan3A_158 = arith.constant 0 : i32
      %scan3A_159 = arith.constant 18 : i32
      %scan3A_160 = arith.addi %scan3A_34, %scan3A_159 : i32
      %mul3A_161 = arith.constant 16 : i32
      %mul3A_162 = arith.muli %scan3A_160, %mul3A_161 : i32
      %swap3A_163 = arith.index_cast %mul3A_162 : i32 to index
      %swap3A_164 = tpu.vector_load %arg8[%swap3A_163] {strides = array<i32>} : memref<50000xf32, #tpu.memory_space<vmem>>, vector<16xf32>,
      tpu.vector_store %arg8[%swap3A_163], %broadcast_in_dim3A_15 {strides = array<i32>} : memref<50000xf32, #tpu.memory_space<vmem>>, vector<16xf32>,
      %scan3A_165 = arith.constant 0 : i32
      %scan3A_166 = arith.constant 19 : i32
      %scan3A_167 = arith.addi %scan3A_34, %scan3A_166 : i32
      %mul3A_168 = arith.constant 16 : i32
      %mul3A_169 = arith.muli %scan3A_167, %mul3A_168 : i32
      %swap3A_170 = arith.index_cast %mul3A_169 : i32 to index
      %swap3A_171 = tpu.vector_load %arg8[%swap3A_170] {strides = array<i32>} : memref<50000xf32, #tpu.memory_space<vmem>>, vector<16xf32>,
      tpu.vector_store %arg8[%swap3A_170], %broadcast_in_dim3A_15 {strides = array<i32>} : memref<50000xf32, #tpu.memory_space<vmem>>, vector<16xf32>,
      %scan3A_172 = arith.constant 0 : i32
      %scan3A_173 = arith.constant 20 : i32
      %scan3A_174 = arith.addi %scan3A_34, %scan3A_173 : i32
      %mul3A_175 = arith.constant 16 : i32
      %mul3A_176 = arith.muli %scan3A_174, %mul3A_175 : i32
      %swap3A_177 = arith.index_cast %mul3A_176 : i32 to index
      %swap3A_178 = tpu.vector_load %arg8[%swap3A_177] {strides = array<i32>} : memref<50000xf32, #tpu.memory_space<vmem>>, vector<16xf32>,
      tpu.vector_store %arg8[%swap3A_177], %broadcast_in_dim3A_15 {strides = array<i32>} : memref<50000xf32, #tpu.memory_space<vmem>>, vector<16xf32>,
      %scan3A_179 = arith.constant 0 : i32
      %scan3A_180 = arith.constant 21 : i32
      %scan3A_181 = arith.addi %scan3A_34, %scan3A_180 : i32
      %mul3A_182 = arith.constant 16 : i32
      %mul3A_183 = arith.muli %scan3A_181, %mul3A_182 : i32
      %swap3A_184 = arith.index_cast %mul3A_183 : i32 to index
      %swap3A_185 = tpu.vector_load %arg8[%swap3A_184] {strides = array<i32>} : memref<50000xf32, #tpu.memory_space<vmem>>, vector<16xf32>,
      tpu.vector_store %arg8[%swap3A_184], %broadcast_in_dim3A_15 {strides = array<i32>} : memref<50000xf32, #tpu.memory_space<vmem>>, vector<16xf32>,
      %scan3A_186 = arith.constant 0 : i32
      %scan3A_187 = arith.constant 22 : i32
      %scan3A_188 = arith.addi %scan3A_34, %scan3A_187 : i32
      %mul3A_189 = arith.constant 16 : i32
      %mul3A_190 = arith.muli %scan3A_188, %mul3A_189 : i32
      %swap3A_191 = arith.index_cast %mul3A_190 : i32 to index
      %swap3A_192 = tpu.vector_load %arg8[%swap3A_191] {strides = array<i32>} : memref<50000xf32, #tpu.memory_space<vmem>>, vector<16xf32>,
      tpu.vector_store %arg8[%swap3A_191], %broadcast_in_dim3A_15 {strides = array<i32>} : memref<50000xf32, #tpu.memory_space<vmem>>, vector<16xf32>,
      %scan3A_193 = arith.constant 0 : i32
      %scan3A_194 = arith.constant 23 : i32
      %scan3A_195 = arith.addi %scan3A_34, %scan3A_194 : i32
      %mul3A_196 = arith.constant 16 : i32
      %mul3A_197 = arith.muli %scan3A_195, %mul3A_196 : i32
      %swap3A_198 = arith.index_cast %mul3A_197 : i32 to index
      %swap3A_199 = tpu.vector_load %arg8[%swap3A_198] {strides = array<i32>} : memref<50000xf32, #tpu.memory_space<vmem>>, vector<16xf32>,
      tpu.vector_store %arg8[%swap3A_198], %broadcast_in_dim3A_15 {strides = array<i32>} : memref<50000xf32, #tpu.memory_space<vmem>>, vector<16xf32>,
      %scan3A_200 = arith.constant 0 : i32
      %scan3A_201 = arith.constant 24 : i32
      %scan3A_202 = arith.addi %scan3A_34, %scan3A_201 : i32
      %mul3A_203 = arith.constant 16 : i32
      %mul3A_204 = arith.muli %scan3A_202, %mul3A_203 : i32
      %swap3A_205 = arith.index_cast %mul3A_204 : i32 to index
      %swap3A_206 = tpu.vector_load %arg8[%swap3A_205] {strides = array<i32>} : memref<50000xf32, #tpu.memory_space<vmem>>, vector<16xf32>,
      tpu.vector_store %arg8[%swap3A_205], %broadcast_in_dim3A_15 {strides = array<i32>} : memref<50000xf32, #tpu.memory_space<vmem>>, vector<16xf32>,
      %scan3A_207 = arith.constant 0 : i32
      scf.yield %scan3A_207 : i32
    }
    %scan3A_21 = arith.constant 3125 : i32
    %dma_wait3A = arith.constant 0 : i32
    %dma_wait3A_22 = arith.constant 0 : i32
    %dma_wait3A_23 = tpu.memref_slice %arg2[%dma_wait3A, %dma_wait3A_22] : memref<1x50000xf32, #tpu.memory_space<hbm>> -> memref<1x50000xf32, #tpu.memory_space<hbm>>
    %dma_wait3A_24 = tpu.memref_squeeze %dma_wait3A_23 : memref<1x50000xf32, #tpu.memory_space<hbm>> -> memref<50000xf32, #tpu.memory_space<hbm>>
    %dma_wait3A_25 = arith.constant 0 : i32
    %dma_wait3A_26 = tpu.memref_slice %arg2[%dma_wait3A, %dma_wait3A_25] : memref<1x50000xf32, #tpu.memory_space<hbm>> -> memref<1x50000xf32, #tpu.memory_space<hbm>>
    %dma_wait3A_27 = tpu.memref_squeeze %dma_wait3A_26 : memref<1x50000xf32, #tpu.memory_space<hbm>> -> memref<50000xf32, #tpu.memory_space<hbm>>
    tpu.wait_dma2 semaphore(%arg9 : memref<!tpu.dma_semaphore, #tpu.memory_space<semaphore_mem>>) src(%dma_wait3A_27 : memref<50000xf32, #tpu.memory_space<hbm>>) dst(%arg5 : memref<50000xf32, #tpu.memory_space<vmem>>)
    %dma_wait3A_28 = tpu.memref_slice %arg3[%mul3A_2] : memref<640000xi32, #tpu.memory_space<hbm>> -> memref<10000xi32, #tpu.memory_space<hbm>>
    %dma_wait3A_29 = tpu.memref_slice %arg3[%mul3A_2] : memref<640000xi32, #tpu.memory_space<hbm>> -> memref<10000xi32, #tpu.memory_space<hbm>>
    tpu.wait_dma2 semaphore(%arg10 : memref<!tpu.dma_semaphore, #tpu.memory_space<semaphore_mem>>) src(%dma_wait3A_29 : memref<10000xi32, #tpu.memory_space<hbm>>) dst(%arg6 : memref<10000xi32, #tpu.memory_space<vmem>>)
    %dma_wait3A_30 = tpu.memref_slice %arg3[%add3A_12] : memref<640000xi32, #tpu.memory_space<hbm>> -> memref<10000xi32, #tpu.memory_space<hbm>>
    %dma_wait3A_31 = tpu.memref_slice %arg3[%add3A_12] : memref<640000xi32, #tpu.memory_space<hbm>> -> memref<10000xi32, #tpu.memory_space<hbm>>
    tpu.wait_dma2 semaphore(%arg11 : memref<!tpu.dma_semaphore, #tpu.memory_space<semaphore_mem>>) src(%dma_wait3A_31 : memref<10000xi32, #tpu.memory_space<hbm>>) dst(%arg7 : memref<10000xi32, #tpu.memory_space<vmem>>)
    %parallel_loop3A = arith.constant 0 : i32
    %parallel_loop3A_32 = arith.constant 625 : i32
    %parallel_loop3A_33 = arith.constant 1 : i32
    scf.for %parallel_loop3A_34 = %parallel_loop3A to %parallel_loop3A_32 step %parallel_loop3A_33  : i32 {
      %parallel_loop3A_35 = arith.constant 16 : i32
      %parallel_loop3A_36 = arith.muli %parallel_loop3A_34, %parallel_loop3A_35 : i32
      %parallel_loop3A_37 = arith.index_cast %parallel_loop3A_36 : i32 to index
      %parallel_loop3A_38 = tpu.vector_load %arg6[%parallel_loop3A_37] {strides = array<i32>} : memref<10000xi32, #tpu.memory_space<vmem>>, vector<16xi32>,
      %parallel_loop3A_39 = arith.constant 16 : i32
      %parallel_loop3A_40 = arith.muli %parallel_loop3A_34, %parallel_loop3A_39 : i32
      %parallel_loop3A_41 = arith.index_cast %parallel_loop3A_40 : i32 to index
      %parallel_loop3A_42 = tpu.vector_load %arg7[%parallel_loop3A_41] {strides = array<i32>} : memref<10000xi32, #tpu.memory_space<vmem>>, vector<16xi32>,
      %parallel_loop3A_43 = arith.constant 0 : i32
      %parallel_loop3A_44 = vector.broadcast %parallel_loop3A_43 : i32 to vector<16xi32>
      %parallel_loop3A_45 = arith.addi %parallel_loop3A_38, %parallel_loop3A_44 : vector<16xi32>
      %parallel_loop3A_46 = tpu.vector_load_idx %arg5[%parallel_loop3A_45] : memref<50000xf32, #tpu.memory_space<vmem>>[vector<16xi32>], vector<16xf32>,
      %parallel_loop3A_47 = arith.constant 0 : i32
      %parallel_loop3A_48 = vector.broadcast %parallel_loop3A_47 : i32 to vector<16xi32>
      %parallel_loop3A_49 = arith.addi %parallel_loop3A_42, %parallel_loop3A_48 : vector<16xi32>
      tpu.vector_store_idx %arg8[%parallel_loop3A_49], %parallel_loop3A_46 {add = true} : memref<50000xf32, #tpu.memory_space<vmem>>[vector<16xi32>], vector<16xf32>,
      %parallel_loop3A_50 = arith.constant 10000 : i32
      %parallel_loop3A_51 = vector.broadcast %parallel_loop3A_50 : i32 to vector<16xi32>
      %parallel_loop3A_52 = arith.addi %parallel_loop3A_38, %parallel_loop3A_51 : vector<16xi32>
      %parallel_loop3A_53 = tpu.vector_load_idx %arg5[%parallel_loop3A_52] : memref<50000xf32, #tpu.memory_space<vmem>>[vector<16xi32>], vector<16xf32>,
      %parallel_loop3A_54 = arith.constant 10000 : i32
      %parallel_loop3A_55 = vector.broadcast %parallel_loop3A_54 : i32 to vector<16xi32>
      %parallel_loop3A_56 = arith.addi %parallel_loop3A_42, %parallel_loop3A_55 : vector<16xi32>
      tpu.vector_store_idx %arg8[%parallel_loop3A_56], %parallel_loop3A_53 {add = true} : memref<50000xf32, #tpu.memory_space<vmem>>[vector<16xi32>], vector<16xf32>,
      %parallel_loop3A_57 = arith.constant 20000 : i32
      %parallel_loop3A_58 = vector.broadcast %parallel_loop3A_57 : i32 to vector<16xi32>
      %parallel_loop3A_59 = arith.addi %parallel_loop3A_38, %parallel_loop3A_58 : vector<16xi32>
      %parallel_loop3A_60 = tpu.vector_load_idx %arg5[%parallel_loop3A_59] : memref<50000xf32, #tpu.memory_space<vmem>>[vector<16xi32>], vector<16xf32>,
      %parallel_loop3A_61 = arith.constant 20000 : i32
      %parallel_loop3A_62 = vector.broadcast %parallel_loop3A_61 : i32 to vector<16xi32>
      %parallel_loop3A_63 = arith.addi %parallel_loop3A_42, %parallel_loop3A_62 : vector<16xi32>
      tpu.vector_store_idx %arg8[%parallel_loop3A_63], %parallel_loop3A_60 {add = true} : memref<50000xf32, #tpu.memory_space<vmem>>[vector<16xi32>], vector<16xf32>,
      %parallel_loop3A_64 = arith.constant 30000 : i32
      %parallel_loop3A_65 = vector.broadcast %parallel_loop3A_64 : i32 to vector<16xi32>
      %parallel_loop3A_66 = arith.addi %parallel_loop3A_38, %parallel_loop3A_65 : vector<16xi32>
      %parallel_loop3A_67 = tpu.vector_load_idx %arg5[%parallel_loop3A_66] : memref<50000xf32, #tpu.memory_space<vmem>>[vector<16xi32>], vector<16xf32>,
      %parallel_loop3A_68 = arith.constant 30000 : i32
      %parallel_loop3A_69 = vector.broadcast %parallel_loop3A_68 : i32 to vector<16xi32>
      %parallel_loop3A_70 = arith.addi %parallel_loop3A_42, %parallel_loop3A_69 : vector<16xi32>
      tpu.vector_store_idx %arg8[%parallel_loop3A_70], %parallel_loop3A_67 {add = true} : memref<50000xf32, #tpu.memory_space<vmem>>[vector<16xi32>], vector<16xf32>,
      %parallel_loop3A_71 = arith.constant 40000 : i32
      %parallel_loop3A_72 = vector.broadcast %parallel_loop3A_71 : i32 to vector<16xi32>
      %parallel_loop3A_73 = arith.addi %parallel_loop3A_38, %parallel_loop3A_72 : vector<16xi32>
      %parallel_loop3A_74 = tpu.vector_load_idx %arg5[%parallel_loop3A_73] : memref<50000xf32, #tpu.memory_space<vmem>>[vector<16xi32>], vector<16xf32>,
      %parallel_loop3A_75 = arith.constant 40000 : i32
      %parallel_loop3A_76 = vector.broadcast %parallel_loop3A_75 : i32 to vector<16xi32>
      %parallel_loop3A_77 = arith.addi %parallel_loop3A_42, %parallel_loop3A_76 : vector<16xi32>
      tpu.vector_store_idx %arg8[%parallel_loop3A_77], %parallel_loop3A_74 {add = true} : memref<50000xf32, #tpu.memory_space<vmem>>[vector<16xi32>], vector<16xf32>,
    } {sc.loop_unroll_factor = 4 : i64, sc.parallel_access}
    "tpu.region"() ({
      %run_scoped3A = tpu.sem_alloc : memref<!tpu.dma_semaphore, #tpu.memory_space<semaphore_mem>>
      %dma_start3A_34 = arith.constant 0 : i32
      %dma_start3A_35 = tpu.memref_slice %arg4[%add3A, %dma_start3A_34] : memref<32x50000xf32, #tpu.memory_space<hbm>> -> memref<1x50000xf32, #tpu.memory_space<hbm>>
      %dma_start3A_36 = tpu.memref_squeeze %dma_start3A_35 : memref<1x50000xf32, #tpu.memory_space<hbm>> -> memref<50000xf32, #tpu.memory_space<hbm>>
      %dma_start3A_37 = arith.constant 0 : i32
      %dma_start3A_38 = tpu.memref_slice %arg4[%add3A, %dma_start3A_37] : memref<32x50000xf32, #tpu.memory_space<hbm>> -> memref<1x50000xf32, #tpu.memory_space<hbm>>
      %dma_start3A_39 = tpu.memref_squeeze %dma_start3A_38 : memref<1x50000xf32, #tpu.memory_space<hbm>> -> memref<50000xf32, #tpu.memory_space<hbm>>
      tpu.enqueue_dma source(%arg8 : memref<50000xf32, #tpu.memory_space<vmem>>) target(%dma_start3A_39 : memref<50000xf32, #tpu.memory_space<hbm>>) target_semaphore(%run_scoped3A : memref<!tpu.dma_semaphore, #tpu.memory_space<semaphore_mem>>)
      %dma_wait3A_40 = arith.constant 0 : i32
      %dma_wait3A_41 = tpu.memref_slice %arg4[%add3A, %dma_wait3A_40] : memref<32x50000xf32, #tpu.memory_space<hbm>> -> memref<1x50000xf32, #tpu.memory_space<hbm>>
      %dma_wait3A_42 = tpu.memref_squeeze %dma_wait3A_41 : memref<1x50000xf32, #tpu.memory_space<hbm>> -> memref<50000xf32, #tpu.memory_space<hbm>>
      %dma_wait3A_43 = arith.constant 0 : i32
      %dma_wait3A_44 = tpu.memref_slice %arg4[%add3A, %dma_wait3A_43] : memref<32x50000xf32, #tpu.memory_space<hbm>> -> memref<1x50000xf32, #tpu.memory_space<hbm>>
      %dma_wait3A_45 = tpu.memref_squeeze %dma_wait3A_44 : memref<1x50000xf32, #tpu.memory_space<hbm>> -> memref<50000xf32, #tpu.memory_space<hbm>>
      tpu.wait_dma2 semaphore(%run_scoped3A : memref<!tpu.dma_semaphore, #tpu.memory_space<semaphore_mem>>) src(%arg8 : memref<50000xf32, #tpu.memory_space<vmem>>) dst(%dma_wait3A_45 : memref<50000xf32, #tpu.memory_space<hbm>>)
      tpu.yield
    }) : () -> ()
    return
  }
}

#map = affine_map<(d0, d1) -> (0)>
#map1 = affine_map<(d0, d1) -> (0, 0)>
module attributes {stable_mosaic.version = 14 : i64} {
  func.func @_deg_kernel(%arg0: i32, %arg1: i32, %arg2: memref<640000xi32, #tpu.memory_space<hbm>>, %arg3: memref<32x10000xf32, #tpu.memory_space<hbm>>, %arg4: memref<10000xi32, #tpu.memory_space<vmem>>, %arg5: memref<10000xf32, #tpu.memory_space<vmem>>, %arg6: memref<!tpu.dma_semaphore, #tpu.memory_space<semaphore_mem>>) attributes {dimension_semantics = [#tpu.dimension_semantics<core_parallel>, #tpu.dimension_semantics<subcore_parallel>], iteration_bounds = array<i64: 2, 16>, scalar_prefetch = 0 : i64, scratch_operands = 3 : i64, tpu.core_type = #tpu.core_type<sc_vector_subcore>, window_params = [{transform_indices = #map}, {transform_indices = #map1}]} {
    %mul3A = arith.constant 2 : i32
    %mul3A_0 = arith.muli %arg1, %mul3A : i32
    %add3A = arith.addi %mul3A_0, %arg0 : i32
    %mul3A_1 = arith.constant 10000 : i32
    %mul3A_2 = arith.muli %add3A, %mul3A_1 : i32
    %add3A_3 = arith.constant 320000 : i32
    %add3A_4 = arith.addi %add3A_3, %mul3A_2 : i32
    %dma_start3A = tpu.memref_slice %arg2[%add3A_4] : memref<640000xi32, #tpu.memory_space<hbm>> -> memref<10000xi32, #tpu.memory_space<hbm>>
    %dma_start3A_5 = tpu.memref_slice %arg2[%add3A_4] : memref<640000xi32, #tpu.memory_space<hbm>> -> memref<10000xi32, #tpu.memory_space<hbm>>
    tpu.enqueue_dma source(%dma_start3A_5 : memref<10000xi32, #tpu.memory_space<hbm>>) target(%arg4 : memref<10000xi32, #tpu.memory_space<vmem>>) target_semaphore(%arg6 : memref<!tpu.dma_semaphore, #tpu.memory_space<semaphore_mem>>)
    %broadcast_in_dim3A = arith.constant 0.000000e+00 : f32
    %broadcast_in_dim3A_6 = vector.broadcast %broadcast_in_dim3A : f32 to vector<16xf32>
    %scan3A = arith.constant 0 : i32
    %scan3A_7 = arith.constant 0 : i32
    %scan3A_8 = arith.constant 625 : i32
    %scan3A_9 = arith.addi %scan3A_7, %scan3A_8 : i32
    %scan3A_10 = arith.constant 25 : i32
    %scan3A_11 = scf.for %scan3A_18 = %scan3A_7 to %scan3A_9 step %scan3A_10 iter_args(%scan3A_19 = %scan3A) -> (i32)  : i32 {
      %mul3A_20 = arith.constant 16 : i32
      %mul3A_21 = arith.muli %scan3A_18, %mul3A_20 : i32
      %swap3A = arith.index_cast %mul3A_21 : i32 to index
      %swap3A_22 = tpu.vector_load %arg5[%swap3A] {strides = array<i32>} : memref<10000xf32, #tpu.memory_space<vmem>>, vector<16xf32>,
      tpu.vector_store %arg5[%swap3A], %broadcast_in_dim3A_6 {strides = array<i32>} : memref<10000xf32, #tpu.memory_space<vmem>>, vector<16xf32>,
      %scan3A_23 = arith.constant 0 : i32
      %scan3A_24 = arith.constant 1 : i32
      %scan3A_25 = arith.addi %scan3A_18, %scan3A_24 : i32
      %mul3A_26 = arith.constant 16 : i32
      %mul3A_27 = arith.muli %scan3A_25, %mul3A_26 : i32
      %swap3A_28 = arith.index_cast %mul3A_27 : i32 to index
      %swap3A_29 = tpu.vector_load %arg5[%swap3A_28] {strides = array<i32>} : memref<10000xf32, #tpu.memory_space<vmem>>, vector<16xf32>,
      tpu.vector_store %arg5[%swap3A_28], %broadcast_in_dim3A_6 {strides = array<i32>} : memref<10000xf32, #tpu.memory_space<vmem>>, vector<16xf32>,
      %scan3A_30 = arith.constant 0 : i32
      %scan3A_31 = arith.constant 2 : i32
      %scan3A_32 = arith.addi %scan3A_18, %scan3A_31 : i32
      %mul3A_33 = arith.constant 16 : i32
      %mul3A_34 = arith.muli %scan3A_32, %mul3A_33 : i32
      %swap3A_35 = arith.index_cast %mul3A_34 : i32 to index
      %swap3A_36 = tpu.vector_load %arg5[%swap3A_35] {strides = array<i32>} : memref<10000xf32, #tpu.memory_space<vmem>>, vector<16xf32>,
      tpu.vector_store %arg5[%swap3A_35], %broadcast_in_dim3A_6 {strides = array<i32>} : memref<10000xf32, #tpu.memory_space<vmem>>, vector<16xf32>,
      %scan3A_37 = arith.constant 0 : i32
      %scan3A_38 = arith.constant 3 : i32
      %scan3A_39 = arith.addi %scan3A_18, %scan3A_38 : i32
      %mul3A_40 = arith.constant 16 : i32
      %mul3A_41 = arith.muli %scan3A_39, %mul3A_40 : i32
      %swap3A_42 = arith.index_cast %mul3A_41 : i32 to index
      %swap3A_43 = tpu.vector_load %arg5[%swap3A_42] {strides = array<i32>} : memref<10000xf32, #tpu.memory_space<vmem>>, vector<16xf32>,
      tpu.vector_store %arg5[%swap3A_42], %broadcast_in_dim3A_6 {strides = array<i32>} : memref<10000xf32, #tpu.memory_space<vmem>>, vector<16xf32>,
      %scan3A_44 = arith.constant 0 : i32
      %scan3A_45 = arith.constant 4 : i32
      %scan3A_46 = arith.addi %scan3A_18, %scan3A_45 : i32
      %mul3A_47 = arith.constant 16 : i32
      %mul3A_48 = arith.muli %scan3A_46, %mul3A_47 : i32
      %swap3A_49 = arith.index_cast %mul3A_48 : i32 to index
      %swap3A_50 = tpu.vector_load %arg5[%swap3A_49] {strides = array<i32>} : memref<10000xf32, #tpu.memory_space<vmem>>, vector<16xf32>,
      tpu.vector_store %arg5[%swap3A_49], %broadcast_in_dim3A_6 {strides = array<i32>} : memref<10000xf32, #tpu.memory_space<vmem>>, vector<16xf32>,
      %scan3A_51 = arith.constant 0 : i32
      %scan3A_52 = arith.constant 5 : i32
      %scan3A_53 = arith.addi %scan3A_18, %scan3A_52 : i32
      %mul3A_54 = arith.constant 16 : i32
      %mul3A_55 = arith.muli %scan3A_53, %mul3A_54 : i32
      %swap3A_56 = arith.index_cast %mul3A_55 : i32 to index
      %swap3A_57 = tpu.vector_load %arg5[%swap3A_56] {strides = array<i32>} : memref<10000xf32, #tpu.memory_space<vmem>>, vector<16xf32>,
      tpu.vector_store %arg5[%swap3A_56], %broadcast_in_dim3A_6 {strides = array<i32>} : memref<10000xf32, #tpu.memory_space<vmem>>, vector<16xf32>,
      %scan3A_58 = arith.constant 0 : i32
      %scan3A_59 = arith.constant 6 : i32
      %scan3A_60 = arith.addi %scan3A_18, %scan3A_59 : i32
      %mul3A_61 = arith.constant 16 : i32
      %mul3A_62 = arith.muli %scan3A_60, %mul3A_61 : i32
      %swap3A_63 = arith.index_cast %mul3A_62 : i32 to index
      %swap3A_64 = tpu.vector_load %arg5[%swap3A_63] {strides = array<i32>} : memref<10000xf32, #tpu.memory_space<vmem>>, vector<16xf32>,
      tpu.vector_store %arg5[%swap3A_63], %broadcast_in_dim3A_6 {strides = array<i32>} : memref<10000xf32, #tpu.memory_space<vmem>>, vector<16xf32>,
      %scan3A_65 = arith.constant 0 : i32
      %scan3A_66 = arith.constant 7 : i32
      %scan3A_67 = arith.addi %scan3A_18, %scan3A_66 : i32
      %mul3A_68 = arith.constant 16 : i32
      %mul3A_69 = arith.muli %scan3A_67, %mul3A_68 : i32
      %swap3A_70 = arith.index_cast %mul3A_69 : i32 to index
      %swap3A_71 = tpu.vector_load %arg5[%swap3A_70] {strides = array<i32>} : memref<10000xf32, #tpu.memory_space<vmem>>, vector<16xf32>,
      tpu.vector_store %arg5[%swap3A_70], %broadcast_in_dim3A_6 {strides = array<i32>} : memref<10000xf32, #tpu.memory_space<vmem>>, vector<16xf32>,
      %scan3A_72 = arith.constant 0 : i32
      %scan3A_73 = arith.constant 8 : i32
      %scan3A_74 = arith.addi %scan3A_18, %scan3A_73 : i32
      %mul3A_75 = arith.constant 16 : i32
      %mul3A_76 = arith.muli %scan3A_74, %mul3A_75 : i32
      %swap3A_77 = arith.index_cast %mul3A_76 : i32 to index
      %swap3A_78 = tpu.vector_load %arg5[%swap3A_77] {strides = array<i32>} : memref<10000xf32, #tpu.memory_space<vmem>>, vector<16xf32>,
      tpu.vector_store %arg5[%swap3A_77], %broadcast_in_dim3A_6 {strides = array<i32>} : memref<10000xf32, #tpu.memory_space<vmem>>, vector<16xf32>,
      %scan3A_79 = arith.constant 0 : i32
      %scan3A_80 = arith.constant 9 : i32
      %scan3A_81 = arith.addi %scan3A_18, %scan3A_80 : i32
      %mul3A_82 = arith.constant 16 : i32
      %mul3A_83 = arith.muli %scan3A_81, %mul3A_82 : i32
      %swap3A_84 = arith.index_cast %mul3A_83 : i32 to index
      %swap3A_85 = tpu.vector_load %arg5[%swap3A_84] {strides = array<i32>} : memref<10000xf32, #tpu.memory_space<vmem>>, vector<16xf32>,
      tpu.vector_store %arg5[%swap3A_84], %broadcast_in_dim3A_6 {strides = array<i32>} : memref<10000xf32, #tpu.memory_space<vmem>>, vector<16xf32>,
      %scan3A_86 = arith.constant 0 : i32
      %scan3A_87 = arith.constant 10 : i32
      %scan3A_88 = arith.addi %scan3A_18, %scan3A_87 : i32
      %mul3A_89 = arith.constant 16 : i32
      %mul3A_90 = arith.muli %scan3A_88, %mul3A_89 : i32
      %swap3A_91 = arith.index_cast %mul3A_90 : i32 to index
      %swap3A_92 = tpu.vector_load %arg5[%swap3A_91] {strides = array<i32>} : memref<10000xf32, #tpu.memory_space<vmem>>, vector<16xf32>,
      tpu.vector_store %arg5[%swap3A_91], %broadcast_in_dim3A_6 {strides = array<i32>} : memref<10000xf32, #tpu.memory_space<vmem>>, vector<16xf32>,
      %scan3A_93 = arith.constant 0 : i32
      %scan3A_94 = arith.constant 11 : i32
      %scan3A_95 = arith.addi %scan3A_18, %scan3A_94 : i32
      %mul3A_96 = arith.constant 16 : i32
      %mul3A_97 = arith.muli %scan3A_95, %mul3A_96 : i32
      %swap3A_98 = arith.index_cast %mul3A_97 : i32 to index
      %swap3A_99 = tpu.vector_load %arg5[%swap3A_98] {strides = array<i32>} : memref<10000xf32, #tpu.memory_space<vmem>>, vector<16xf32>,
      tpu.vector_store %arg5[%swap3A_98], %broadcast_in_dim3A_6 {strides = array<i32>} : memref<10000xf32, #tpu.memory_space<vmem>>, vector<16xf32>,
      %scan3A_100 = arith.constant 0 : i32
      %scan3A_101 = arith.constant 12 : i32
      %scan3A_102 = arith.addi %scan3A_18, %scan3A_101 : i32
      %mul3A_103 = arith.constant 16 : i32
      %mul3A_104 = arith.muli %scan3A_102, %mul3A_103 : i32
      %swap3A_105 = arith.index_cast %mul3A_104 : i32 to index
      %swap3A_106 = tpu.vector_load %arg5[%swap3A_105] {strides = array<i32>} : memref<10000xf32, #tpu.memory_space<vmem>>, vector<16xf32>,
      tpu.vector_store %arg5[%swap3A_105], %broadcast_in_dim3A_6 {strides = array<i32>} : memref<10000xf32, #tpu.memory_space<vmem>>, vector<16xf32>,
      %scan3A_107 = arith.constant 0 : i32
      %scan3A_108 = arith.constant 13 : i32
      %scan3A_109 = arith.addi %scan3A_18, %scan3A_108 : i32
      %mul3A_110 = arith.constant 16 : i32
      %mul3A_111 = arith.muli %scan3A_109, %mul3A_110 : i32
      %swap3A_112 = arith.index_cast %mul3A_111 : i32 to index
      %swap3A_113 = tpu.vector_load %arg5[%swap3A_112] {strides = array<i32>} : memref<10000xf32, #tpu.memory_space<vmem>>, vector<16xf32>,
      tpu.vector_store %arg5[%swap3A_112], %broadcast_in_dim3A_6 {strides = array<i32>} : memref<10000xf32, #tpu.memory_space<vmem>>, vector<16xf32>,
      %scan3A_114 = arith.constant 0 : i32
      %scan3A_115 = arith.constant 14 : i32
      %scan3A_116 = arith.addi %scan3A_18, %scan3A_115 : i32
      %mul3A_117 = arith.constant 16 : i32
      %mul3A_118 = arith.muli %scan3A_116, %mul3A_117 : i32
      %swap3A_119 = arith.index_cast %mul3A_118 : i32 to index
      %swap3A_120 = tpu.vector_load %arg5[%swap3A_119] {strides = array<i32>} : memref<10000xf32, #tpu.memory_space<vmem>>, vector<16xf32>,
      tpu.vector_store %arg5[%swap3A_119], %broadcast_in_dim3A_6 {strides = array<i32>} : memref<10000xf32, #tpu.memory_space<vmem>>, vector<16xf32>,
      %scan3A_121 = arith.constant 0 : i32
      %scan3A_122 = arith.constant 15 : i32
      %scan3A_123 = arith.addi %scan3A_18, %scan3A_122 : i32
      %mul3A_124 = arith.constant 16 : i32
      %mul3A_125 = arith.muli %scan3A_123, %mul3A_124 : i32
      %swap3A_126 = arith.index_cast %mul3A_125 : i32 to index
      %swap3A_127 = tpu.vector_load %arg5[%swap3A_126] {strides = array<i32>} : memref<10000xf32, #tpu.memory_space<vmem>>, vector<16xf32>,
      tpu.vector_store %arg5[%swap3A_126], %broadcast_in_dim3A_6 {strides = array<i32>} : memref<10000xf32, #tpu.memory_space<vmem>>, vector<16xf32>,
      %scan3A_128 = arith.constant 0 : i32
      %scan3A_129 = arith.constant 16 : i32
      %scan3A_130 = arith.addi %scan3A_18, %scan3A_129 : i32
      %mul3A_131 = arith.constant 16 : i32
      %mul3A_132 = arith.muli %scan3A_130, %mul3A_131 : i32
      %swap3A_133 = arith.index_cast %mul3A_132 : i32 to index
      %swap3A_134 = tpu.vector_load %arg5[%swap3A_133] {strides = array<i32>} : memref<10000xf32, #tpu.memory_space<vmem>>, vector<16xf32>,
      tpu.vector_store %arg5[%swap3A_133], %broadcast_in_dim3A_6 {strides = array<i32>} : memref<10000xf32, #tpu.memory_space<vmem>>, vector<16xf32>,
      %scan3A_135 = arith.constant 0 : i32
      %scan3A_136 = arith.constant 17 : i32
      %scan3A_137 = arith.addi %scan3A_18, %scan3A_136 : i32
      %mul3A_138 = arith.constant 16 : i32
      %mul3A_139 = arith.muli %scan3A_137, %mul3A_138 : i32
      %swap3A_140 = arith.index_cast %mul3A_139 : i32 to index
      %swap3A_141 = tpu.vector_load %arg5[%swap3A_140] {strides = array<i32>} : memref<10000xf32, #tpu.memory_space<vmem>>, vector<16xf32>,
      tpu.vector_store %arg5[%swap3A_140], %broadcast_in_dim3A_6 {strides = array<i32>} : memref<10000xf32, #tpu.memory_space<vmem>>, vector<16xf32>,
      %scan3A_142 = arith.constant 0 : i32
      %scan3A_143 = arith.constant 18 : i32
      %scan3A_144 = arith.addi %scan3A_18, %scan3A_143 : i32
      %mul3A_145 = arith.constant 16 : i32
      %mul3A_146 = arith.muli %scan3A_144, %mul3A_145 : i32
      %swap3A_147 = arith.index_cast %mul3A_146 : i32 to index
      %swap3A_148 = tpu.vector_load %arg5[%swap3A_147] {strides = array<i32>} : memref<10000xf32, #tpu.memory_space<vmem>>, vector<16xf32>,
      tpu.vector_store %arg5[%swap3A_147], %broadcast_in_dim3A_6 {strides = array<i32>} : memref<10000xf32, #tpu.memory_space<vmem>>, vector<16xf32>,
      %scan3A_149 = arith.constant 0 : i32
      %scan3A_150 = arith.constant 19 : i32
      %scan3A_151 = arith.addi %scan3A_18, %scan3A_150 : i32
      %mul3A_152 = arith.constant 16 : i32
      %mul3A_153 = arith.muli %scan3A_151, %mul3A_152 : i32
      %swap3A_154 = arith.index_cast %mul3A_153 : i32 to index
      %swap3A_155 = tpu.vector_load %arg5[%swap3A_154] {strides = array<i32>} : memref<10000xf32, #tpu.memory_space<vmem>>, vector<16xf32>,
      tpu.vector_store %arg5[%swap3A_154], %broadcast_in_dim3A_6 {strides = array<i32>} : memref<10000xf32, #tpu.memory_space<vmem>>, vector<16xf32>,
      %scan3A_156 = arith.constant 0 : i32
      %scan3A_157 = arith.constant 20 : i32
      %scan3A_158 = arith.addi %scan3A_18, %scan3A_157 : i32
      %mul3A_159 = arith.constant 16 : i32
      %mul3A_160 = arith.muli %scan3A_158, %mul3A_159 : i32
      %swap3A_161 = arith.index_cast %mul3A_160 : i32 to index
      %swap3A_162 = tpu.vector_load %arg5[%swap3A_161] {strides = array<i32>} : memref<10000xf32, #tpu.memory_space<vmem>>, vector<16xf32>,
      tpu.vector_store %arg5[%swap3A_161], %broadcast_in_dim3A_6 {strides = array<i32>} : memref<10000xf32, #tpu.memory_space<vmem>>, vector<16xf32>,
      %scan3A_163 = arith.constant 0 : i32
      %scan3A_164 = arith.constant 21 : i32
      %scan3A_165 = arith.addi %scan3A_18, %scan3A_164 : i32
      %mul3A_166 = arith.constant 16 : i32
      %mul3A_167 = arith.muli %scan3A_165, %mul3A_166 : i32
      %swap3A_168 = arith.index_cast %mul3A_167 : i32 to index
      %swap3A_169 = tpu.vector_load %arg5[%swap3A_168] {strides = array<i32>} : memref<10000xf32, #tpu.memory_space<vmem>>, vector<16xf32>,
      tpu.vector_store %arg5[%swap3A_168], %broadcast_in_dim3A_6 {strides = array<i32>} : memref<10000xf32, #tpu.memory_space<vmem>>, vector<16xf32>,
      %scan3A_170 = arith.constant 0 : i32
      %scan3A_171 = arith.constant 22 : i32
      %scan3A_172 = arith.addi %scan3A_18, %scan3A_171 : i32
      %mul3A_173 = arith.constant 16 : i32
      %mul3A_174 = arith.muli %scan3A_172, %mul3A_173 : i32
      %swap3A_175 = arith.index_cast %mul3A_174 : i32 to index
      %swap3A_176 = tpu.vector_load %arg5[%swap3A_175] {strides = array<i32>} : memref<10000xf32, #tpu.memory_space<vmem>>, vector<16xf32>,
      tpu.vector_store %arg5[%swap3A_175], %broadcast_in_dim3A_6 {strides = array<i32>} : memref<10000xf32, #tpu.memory_space<vmem>>, vector<16xf32>,
      %scan3A_177 = arith.constant 0 : i32
      %scan3A_178 = arith.constant 23 : i32
      %scan3A_179 = arith.addi %scan3A_18, %scan3A_178 : i32
      %mul3A_180 = arith.constant 16 : i32
      %mul3A_181 = arith.muli %scan3A_179, %mul3A_180 : i32
      %swap3A_182 = arith.index_cast %mul3A_181 : i32 to index
      %swap3A_183 = tpu.vector_load %arg5[%swap3A_182] {strides = array<i32>} : memref<10000xf32, #tpu.memory_space<vmem>>, vector<16xf32>,
      tpu.vector_store %arg5[%swap3A_182], %broadcast_in_dim3A_6 {strides = array<i32>} : memref<10000xf32, #tpu.memory_space<vmem>>, vector<16xf32>,
      %scan3A_184 = arith.constant 0 : i32
      %scan3A_185 = arith.constant 24 : i32
      %scan3A_186 = arith.addi %scan3A_18, %scan3A_185 : i32
      %mul3A_187 = arith.constant 16 : i32
      %mul3A_188 = arith.muli %scan3A_186, %mul3A_187 : i32
      %swap3A_189 = arith.index_cast %mul3A_188 : i32 to index
      %swap3A_190 = tpu.vector_load %arg5[%swap3A_189] {strides = array<i32>} : memref<10000xf32, #tpu.memory_space<vmem>>, vector<16xf32>,
      tpu.vector_store %arg5[%swap3A_189], %broadcast_in_dim3A_6 {strides = array<i32>} : memref<10000xf32, #tpu.memory_space<vmem>>, vector<16xf32>,
      %scan3A_191 = arith.constant 0 : i32
      scf.yield %scan3A_191 : i32
    }
    %scan3A_12 = arith.constant 625 : i32
    %dma_wait3A = tpu.memref_slice %arg2[%add3A_4] : memref<640000xi32, #tpu.memory_space<hbm>> -> memref<10000xi32, #tpu.memory_space<hbm>>
    %dma_wait3A_13 = tpu.memref_slice %arg2[%add3A_4] : memref<640000xi32, #tpu.memory_space<hbm>> -> memref<10000xi32, #tpu.memory_space<hbm>>
    tpu.wait_dma2 semaphore(%arg6 : memref<!tpu.dma_semaphore, #tpu.memory_space<semaphore_mem>>) src(%dma_wait3A_13 : memref<10000xi32, #tpu.memory_space<hbm>>) dst(%arg4 : memref<10000xi32, #tpu.memory_space<vmem>>)
    %broadcast_in_dim3A_14 = arith.constant 1.000000e+00 : f32
    %broadcast_in_dim3A_15 = vector.broadcast %broadcast_in_dim3A_14 : f32 to vector<16xf32>
    %parallel_loop3A = arith.constant 0 : i32
    %parallel_loop3A_16 = arith.constant 625 : i32
    %parallel_loop3A_17 = arith.constant 1 : i32
    scf.for %parallel_loop3A_18 = %parallel_loop3A to %parallel_loop3A_16 step %parallel_loop3A_17  : i32 {
      %parallel_loop3A_19 = arith.constant 16 : i32
      %parallel_loop3A_20 = arith.muli %parallel_loop3A_18, %parallel_loop3A_19 : i32
      %parallel_loop3A_21 = arith.index_cast %parallel_loop3A_20 : i32 to index
      %parallel_loop3A_22 = tpu.vector_load %arg4[%parallel_loop3A_21] {strides = array<i32>} : memref<10000xi32, #tpu.memory_space<vmem>>, vector<16xi32>,
      tpu.vector_store_idx %arg5[%parallel_loop3A_22], %broadcast_in_dim3A_15 {add = true} : memref<10000xf32, #tpu.memory_space<vmem>>[vector<16xi32>], vector<16xf32>,
    } {sc.loop_unroll_factor = 8 : i64, sc.parallel_access}
    "tpu.region"() ({
      %run_scoped3A = tpu.sem_alloc : memref<!tpu.dma_semaphore, #tpu.memory_space<semaphore_mem>>
      %dma_start3A_18 = arith.constant 0 : i32
      %dma_start3A_19 = tpu.memref_slice %arg3[%add3A, %dma_start3A_18] : memref<32x10000xf32, #tpu.memory_space<hbm>> -> memref<1x10000xf32, #tpu.memory_space<hbm>>
      %dma_start3A_20 = tpu.memref_squeeze %dma_start3A_19 : memref<1x10000xf32, #tpu.memory_space<hbm>> -> memref<10000xf32, #tpu.memory_space<hbm>>
      %dma_start3A_21 = arith.constant 0 : i32
      %dma_start3A_22 = tpu.memref_slice %arg3[%add3A, %dma_start3A_21] : memref<32x10000xf32, #tpu.memory_space<hbm>> -> memref<1x10000xf32, #tpu.memory_space<hbm>>
      %dma_start3A_23 = tpu.memref_squeeze %dma_start3A_22 : memref<1x10000xf32, #tpu.memory_space<hbm>> -> memref<10000xf32, #tpu.memory_space<hbm>>
      tpu.enqueue_dma source(%arg5 : memref<10000xf32, #tpu.memory_space<vmem>>) target(%dma_start3A_23 : memref<10000xf32, #tpu.memory_space<hbm>>) target_semaphore(%run_scoped3A : memref<!tpu.dma_semaphore, #tpu.memory_space<semaphore_mem>>)
      %dma_wait3A_24 = arith.constant 0 : i32
      %dma_wait3A_25 = tpu.memref_slice %arg3[%add3A, %dma_wait3A_24] : memref<32x10000xf32, #tpu.memory_space<hbm>> -> memref<1x10000xf32, #tpu.memory_space<hbm>>
      %dma_wait3A_26 = tpu.memref_squeeze %dma_wait3A_25 : memref<1x10000xf32, #tpu.memory_space<hbm>> -> memref<10000xf32, #tpu.memory_space<hbm>>
      %dma_wait3A_27 = arith.constant 0 : i32
      %dma_wait3A_28 = tpu.memref_slice %arg3[%add3A, %dma_wait3A_27] : memref<32x10000xf32, #tpu.memory_space<hbm>> -> memref<1x10000xf32, #tpu.memory_space<hbm>>
      %dma_wait3A_29 = tpu.memref_squeeze %dma_wait3A_28 : memref<1x10000xf32, #tpu.memory_space<hbm>> -> memref<10000xf32, #tpu.memory_space<hbm>>
      tpu.wait_dma2 semaphore(%run_scoped3A : memref<!tpu.dma_semaphore, #tpu.memory_space<semaphore_mem>>) src(%arg5 : memref<10000xf32, #tpu.memory_space<vmem>>) dst(%dma_wait3A_29 : memref<10000xf32, #tpu.memory_space<hbm>>)
      tpu.yield
    }) : () -> ()
    return
  }
}

#map = affine_map<(d0, d1) -> (0, 0)>
#map1 = affine_map<(d0, d1) -> (0)>
module attributes {stable_mosaic.version = 14 : i64} {
  func.func @_scatter_kernel(%arg0: i32, %arg1: i32, %arg2: memref<1x50000xf32, #tpu.memory_space<hbm>>, %arg3: memref<640000xi32, #tpu.memory_space<hbm>>, %arg4: memref<32x50000xf32, #tpu.memory_space<hbm>>, %arg5: memref<50000xf32, #tpu.memory_space<vmem>>, %arg6: memref<10000xi32, #tpu.memory_space<vmem>>, %arg7: memref<10000xi32, #tpu.memory_space<vmem>>, %arg8: memref<50000xf32, #tpu.memory_space<vmem>>, %arg9: memref<!tpu.dma_semaphore, #tpu.memory_space<semaphore_mem>>, %arg10: memref<!tpu.dma_semaphore, #tpu.memory_space<semaphore_mem>>, %arg11: memref<!tpu.dma_semaphore, #tpu.memory_space<semaphore_mem>>) attributes {dimension_semantics = [#tpu.dimension_semantics<core_parallel>, #tpu.dimension_semantics<subcore_parallel>], iteration_bounds = array<i64: 2, 16>, scalar_prefetch = 0 : i64, scratch_operands = 7 : i64, tpu.core_type = #tpu.core_type<sc_vector_subcore>, window_params = [{transform_indices = #map}, {transform_indices = #map1}, {transform_indices = #map}]} {
    %mul3A = arith.constant 2 : i32
    %mul3A_0 = arith.muli %arg1, %mul3A : i32
    %add3A = arith.addi %mul3A_0, %arg0 : i32
    %mul3A_1 = arith.constant 10000 : i32
    %mul3A_2 = arith.muli %add3A, %mul3A_1 : i32
    %dma_start3A = arith.constant 0 : i32
    %dma_start3A_3 = arith.constant 0 : i32
    %dma_start3A_4 = tpu.memref_slice %arg2[%dma_start3A, %dma_start3A_3] : memref<1x50000xf32, #tpu.memory_space<hbm>> -> memref<1x50000xf32, #tpu.memory_space<hbm>>
    %dma_start3A_5 = tpu.memref_squeeze %dma_start3A_4 : memref<1x50000xf32, #tpu.memory_space<hbm>> -> memref<50000xf32, #tpu.memory_space<hbm>>
    %dma_start3A_6 = arith.constant 0 : i32
    %dma_start3A_7 = tpu.memref_slice %arg2[%dma_start3A, %dma_start3A_6] : memref<1x50000xf32, #tpu.memory_space<hbm>> -> memref<1x50000xf32, #tpu.memory_space<hbm>>
    %dma_start3A_8 = tpu.memref_squeeze %dma_start3A_7 : memref<1x50000xf32, #tpu.memory_space<hbm>> -> memref<50000xf32, #tpu.memory_space<hbm>>
    tpu.enqueue_dma source(%dma_start3A_8 : memref<50000xf32, #tpu.memory_space<hbm>>) target(%arg5 : memref<50000xf32, #tpu.memory_space<vmem>>) target_semaphore(%arg9 : memref<!tpu.dma_semaphore, #tpu.memory_space<semaphore_mem>>)
    %dma_start3A_9 = tpu.memref_slice %arg3[%mul3A_2] : memref<640000xi32, #tpu.memory_space<hbm>> -> memref<10000xi32, #tpu.memory_space<hbm>>
    %dma_start3A_10 = tpu.memref_slice %arg3[%mul3A_2] : memref<640000xi32, #tpu.memory_space<hbm>> -> memref<10000xi32, #tpu.memory_space<hbm>>
    tpu.enqueue_dma source(%dma_start3A_10 : memref<10000xi32, #tpu.memory_space<hbm>>) target(%arg6 : memref<10000xi32, #tpu.memory_space<vmem>>) target_semaphore(%arg10 : memref<!tpu.dma_semaphore, #tpu.memory_space<semaphore_mem>>)
    %add3A_11 = arith.constant 320000 : i32
    %add3A_12 = arith.addi %add3A_11, %mul3A_2 : i32
    %dma_start3A_13 = tpu.memref_slice %arg3[%add3A_12] : memref<640000xi32, #tpu.memory_space<hbm>> -> memref<10000xi32, #tpu.memory_space<hbm>>
    %dma_start3A_14 = tpu.memref_slice %arg3[%add3A_12] : memref<640000xi32, #tpu.memory_space<hbm>> -> memref<10000xi32, #tpu.memory_space<hbm>>
    tpu.enqueue_dma source(%dma_start3A_14 : memref<10000xi32, #tpu.memory_space<hbm>>) target(%arg7 : memref<10000xi32, #tpu.memory_space<vmem>>) target_semaphore(%arg11 : memref<!tpu.dma_semaphore, #tpu.memory_space<semaphore_mem>>)
    %broadcast_in_dim3A = arith.constant 0.000000e+00 : f32
    %broadcast_in_dim3A_15 = vector.broadcast %broadcast_in_dim3A : f32 to vector<16xf32>
    %scan3A = arith.constant 0 : i32
    %scan3A_16 = arith.constant 0 : i32
    %scan3A_17 = arith.constant 3125 : i32
    %scan3A_18 = arith.addi %scan3A_16, %scan3A_17 : i32
    %scan3A_19 = arith.constant 25 : i32
    %scan3A_20 = scf.for %scan3A_34 = %scan3A_16 to %scan3A_18 step %scan3A_19 iter_args(%scan3A_35 = %scan3A) -> (i32)  : i32 {
      %mul3A_36 = arith.constant 16 : i32
      %mul3A_37 = arith.muli %scan3A_34, %mul3A_36 : i32
      %swap3A = arith.index_cast %mul3A_37 : i32 to index
      %swap3A_38 = tpu.vector_load %arg8[%swap3A] {strides = array<i32>} : memref<50000xf32, #tpu.memory_space<vmem>>, vector<16xf32>,
      tpu.vector_store %arg8[%swap3A], %broadcast_in_dim3A_15 {strides = array<i32>} : memref<50000xf32, #tpu.memory_space<vmem>>, vector<16xf32>,
      %scan3A_39 = arith.constant 0 : i32
      %scan3A_40 = arith.constant 1 : i32
      %scan3A_41 = arith.addi %scan3A_34, %scan3A_40 : i32
      %mul3A_42 = arith.constant 16 : i32
      %mul3A_43 = arith.muli %scan3A_41, %mul3A_42 : i32
      %swap3A_44 = arith.index_cast %mul3A_43 : i32 to index
      %swap3A_45 = tpu.vector_load %arg8[%swap3A_44] {strides = array<i32>} : memref<50000xf32, #tpu.memory_space<vmem>>, vector<16xf32>,
      tpu.vector_store %arg8[%swap3A_44], %broadcast_in_dim3A_15 {strides = array<i32>} : memref<50000xf32, #tpu.memory_space<vmem>>, vector<16xf32>,
      %scan3A_46 = arith.constant 0 : i32
      %scan3A_47 = arith.constant 2 : i32
      %scan3A_48 = arith.addi %scan3A_34, %scan3A_47 : i32
      %mul3A_49 = arith.constant 16 : i32
      %mul3A_50 = arith.muli %scan3A_48, %mul3A_49 : i32
      %swap3A_51 = arith.index_cast %mul3A_50 : i32 to index
      %swap3A_52 = tpu.vector_load %arg8[%swap3A_51] {strides = array<i32>} : memref<50000xf32, #tpu.memory_space<vmem>>, vector<16xf32>,
      tpu.vector_store %arg8[%swap3A_51], %broadcast_in_dim3A_15 {strides = array<i32>} : memref<50000xf32, #tpu.memory_space<vmem>>, vector<16xf32>,
      %scan3A_53 = arith.constant 0 : i32
      %scan3A_54 = arith.constant 3 : i32
      %scan3A_55 = arith.addi %scan3A_34, %scan3A_54 : i32
      %mul3A_56 = arith.constant 16 : i32
      %mul3A_57 = arith.muli %scan3A_55, %mul3A_56 : i32
      %swap3A_58 = arith.index_cast %mul3A_57 : i32 to index
      %swap3A_59 = tpu.vector_load %arg8[%swap3A_58] {strides = array<i32>} : memref<50000xf32, #tpu.memory_space<vmem>>, vector<16xf32>,
      tpu.vector_store %arg8[%swap3A_58], %broadcast_in_dim3A_15 {strides = array<i32>} : memref<50000xf32, #tpu.memory_space<vmem>>, vector<16xf32>,
      %scan3A_60 = arith.constant 0 : i32
      %scan3A_61 = arith.constant 4 : i32
      %scan3A_62 = arith.addi %scan3A_34, %scan3A_61 : i32
      %mul3A_63 = arith.constant 16 : i32
      %mul3A_64 = arith.muli %scan3A_62, %mul3A_63 : i32
      %swap3A_65 = arith.index_cast %mul3A_64 : i32 to index
      %swap3A_66 = tpu.vector_load %arg8[%swap3A_65] {strides = array<i32>} : memref<50000xf32, #tpu.memory_space<vmem>>, vector<16xf32>,
      tpu.vector_store %arg8[%swap3A_65], %broadcast_in_dim3A_15 {strides = array<i32>} : memref<50000xf32, #tpu.memory_space<vmem>>, vector<16xf32>,
      %scan3A_67 = arith.constant 0 : i32
      %scan3A_68 = arith.constant 5 : i32
      %scan3A_69 = arith.addi %scan3A_34, %scan3A_68 : i32
      %mul3A_70 = arith.constant 16 : i32
      %mul3A_71 = arith.muli %scan3A_69, %mul3A_70 : i32
      %swap3A_72 = arith.index_cast %mul3A_71 : i32 to index
      %swap3A_73 = tpu.vector_load %arg8[%swap3A_72] {strides = array<i32>} : memref<50000xf32, #tpu.memory_space<vmem>>, vector<16xf32>,
      tpu.vector_store %arg8[%swap3A_72], %broadcast_in_dim3A_15 {strides = array<i32>} : memref<50000xf32, #tpu.memory_space<vmem>>, vector<16xf32>,
      %scan3A_74 = arith.constant 0 : i32
      %scan3A_75 = arith.constant 6 : i32
      %scan3A_76 = arith.addi %scan3A_34, %scan3A_75 : i32
      %mul3A_77 = arith.constant 16 : i32
      %mul3A_78 = arith.muli %scan3A_76, %mul3A_77 : i32
      %swap3A_79 = arith.index_cast %mul3A_78 : i32 to index
      %swap3A_80 = tpu.vector_load %arg8[%swap3A_79] {strides = array<i32>} : memref<50000xf32, #tpu.memory_space<vmem>>, vector<16xf32>,
      tpu.vector_store %arg8[%swap3A_79], %broadcast_in_dim3A_15 {strides = array<i32>} : memref<50000xf32, #tpu.memory_space<vmem>>, vector<16xf32>,
      %scan3A_81 = arith.constant 0 : i32
      %scan3A_82 = arith.constant 7 : i32
      %scan3A_83 = arith.addi %scan3A_34, %scan3A_82 : i32
      %mul3A_84 = arith.constant 16 : i32
      %mul3A_85 = arith.muli %scan3A_83, %mul3A_84 : i32
      %swap3A_86 = arith.index_cast %mul3A_85 : i32 to index
      %swap3A_87 = tpu.vector_load %arg8[%swap3A_86] {strides = array<i32>} : memref<50000xf32, #tpu.memory_space<vmem>>, vector<16xf32>,
      tpu.vector_store %arg8[%swap3A_86], %broadcast_in_dim3A_15 {strides = array<i32>} : memref<50000xf32, #tpu.memory_space<vmem>>, vector<16xf32>,
      %scan3A_88 = arith.constant 0 : i32
      %scan3A_89 = arith.constant 8 : i32
      %scan3A_90 = arith.addi %scan3A_34, %scan3A_89 : i32
      %mul3A_91 = arith.constant 16 : i32
      %mul3A_92 = arith.muli %scan3A_90, %mul3A_91 : i32
      %swap3A_93 = arith.index_cast %mul3A_92 : i32 to index
      %swap3A_94 = tpu.vector_load %arg8[%swap3A_93] {strides = array<i32>} : memref<50000xf32, #tpu.memory_space<vmem>>, vector<16xf32>,
      tpu.vector_store %arg8[%swap3A_93], %broadcast_in_dim3A_15 {strides = array<i32>} : memref<50000xf32, #tpu.memory_space<vmem>>, vector<16xf32>,
      %scan3A_95 = arith.constant 0 : i32
      %scan3A_96 = arith.constant 9 : i32
      %scan3A_97 = arith.addi %scan3A_34, %scan3A_96 : i32
      %mul3A_98 = arith.constant 16 : i32
      %mul3A_99 = arith.muli %scan3A_97, %mul3A_98 : i32
      %swap3A_100 = arith.index_cast %mul3A_99 : i32 to index
      %swap3A_101 = tpu.vector_load %arg8[%swap3A_100] {strides = array<i32>} : memref<50000xf32, #tpu.memory_space<vmem>>, vector<16xf32>,
      tpu.vector_store %arg8[%swap3A_100], %broadcast_in_dim3A_15 {strides = array<i32>} : memref<50000xf32, #tpu.memory_space<vmem>>, vector<16xf32>,
      %scan3A_102 = arith.constant 0 : i32
      %scan3A_103 = arith.constant 10 : i32
      %scan3A_104 = arith.addi %scan3A_34, %scan3A_103 : i32
      %mul3A_105 = arith.constant 16 : i32
      %mul3A_106 = arith.muli %scan3A_104, %mul3A_105 : i32
      %swap3A_107 = arith.index_cast %mul3A_106 : i32 to index
      %swap3A_108 = tpu.vector_load %arg8[%swap3A_107] {strides = array<i32>} : memref<50000xf32, #tpu.memory_space<vmem>>, vector<16xf32>,
      tpu.vector_store %arg8[%swap3A_107], %broadcast_in_dim3A_15 {strides = array<i32>} : memref<50000xf32, #tpu.memory_space<vmem>>, vector<16xf32>,
      %scan3A_109 = arith.constant 0 : i32
      %scan3A_110 = arith.constant 11 : i32
      %scan3A_111 = arith.addi %scan3A_34, %scan3A_110 : i32
      %mul3A_112 = arith.constant 16 : i32
      %mul3A_113 = arith.muli %scan3A_111, %mul3A_112 : i32
      %swap3A_114 = arith.index_cast %mul3A_113 : i32 to index
      %swap3A_115 = tpu.vector_load %arg8[%swap3A_114] {strides = array<i32>} : memref<50000xf32, #tpu.memory_space<vmem>>, vector<16xf32>,
      tpu.vector_store %arg8[%swap3A_114], %broadcast_in_dim3A_15 {strides = array<i32>} : memref<50000xf32, #tpu.memory_space<vmem>>, vector<16xf32>,
      %scan3A_116 = arith.constant 0 : i32
      %scan3A_117 = arith.constant 12 : i32
      %scan3A_118 = arith.addi %scan3A_34, %scan3A_117 : i32
      %mul3A_119 = arith.constant 16 : i32
      %mul3A_120 = arith.muli %scan3A_118, %mul3A_119 : i32
      %swap3A_121 = arith.index_cast %mul3A_120 : i32 to index
      %swap3A_122 = tpu.vector_load %arg8[%swap3A_121] {strides = array<i32>} : memref<50000xf32, #tpu.memory_space<vmem>>, vector<16xf32>,
      tpu.vector_store %arg8[%swap3A_121], %broadcast_in_dim3A_15 {strides = array<i32>} : memref<50000xf32, #tpu.memory_space<vmem>>, vector<16xf32>,
      %scan3A_123 = arith.constant 0 : i32
      %scan3A_124 = arith.constant 13 : i32
      %scan3A_125 = arith.addi %scan3A_34, %scan3A_124 : i32
      %mul3A_126 = arith.constant 16 : i32
      %mul3A_127 = arith.muli %scan3A_125, %mul3A_126 : i32
      %swap3A_128 = arith.index_cast %mul3A_127 : i32 to index
      %swap3A_129 = tpu.vector_load %arg8[%swap3A_128] {strides = array<i32>} : memref<50000xf32, #tpu.memory_space<vmem>>, vector<16xf32>,
      tpu.vector_store %arg8[%swap3A_128], %broadcast_in_dim3A_15 {strides = array<i32>} : memref<50000xf32, #tpu.memory_space<vmem>>, vector<16xf32>,
      %scan3A_130 = arith.constant 0 : i32
      %scan3A_131 = arith.constant 14 : i32
      %scan3A_132 = arith.addi %scan3A_34, %scan3A_131 : i32
      %mul3A_133 = arith.constant 16 : i32
      %mul3A_134 = arith.muli %scan3A_132, %mul3A_133 : i32
      %swap3A_135 = arith.index_cast %mul3A_134 : i32 to index
      %swap3A_136 = tpu.vector_load %arg8[%swap3A_135] {strides = array<i32>} : memref<50000xf32, #tpu.memory_space<vmem>>, vector<16xf32>,
      tpu.vector_store %arg8[%swap3A_135], %broadcast_in_dim3A_15 {strides = array<i32>} : memref<50000xf32, #tpu.memory_space<vmem>>, vector<16xf32>,
      %scan3A_137 = arith.constant 0 : i32
      %scan3A_138 = arith.constant 15 : i32
      %scan3A_139 = arith.addi %scan3A_34, %scan3A_138 : i32
      %mul3A_140 = arith.constant 16 : i32
      %mul3A_141 = arith.muli %scan3A_139, %mul3A_140 : i32
      %swap3A_142 = arith.index_cast %mul3A_141 : i32 to index
      %swap3A_143 = tpu.vector_load %arg8[%swap3A_142] {strides = array<i32>} : memref<50000xf32, #tpu.memory_space<vmem>>, vector<16xf32>,
      tpu.vector_store %arg8[%swap3A_142], %broadcast_in_dim3A_15 {strides = array<i32>} : memref<50000xf32, #tpu.memory_space<vmem>>, vector<16xf32>,
      %scan3A_144 = arith.constant 0 : i32
      %scan3A_145 = arith.constant 16 : i32
      %scan3A_146 = arith.addi %scan3A_34, %scan3A_145 : i32
      %mul3A_147 = arith.constant 16 : i32
      %mul3A_148 = arith.muli %scan3A_146, %mul3A_147 : i32
      %swap3A_149 = arith.index_cast %mul3A_148 : i32 to index
      %swap3A_150 = tpu.vector_load %arg8[%swap3A_149] {strides = array<i32>} : memref<50000xf32, #tpu.memory_space<vmem>>, vector<16xf32>,
      tpu.vector_store %arg8[%swap3A_149], %broadcast_in_dim3A_15 {strides = array<i32>} : memref<50000xf32, #tpu.memory_space<vmem>>, vector<16xf32>,
      %scan3A_151 = arith.constant 0 : i32
      %scan3A_152 = arith.constant 17 : i32
      %scan3A_153 = arith.addi %scan3A_34, %scan3A_152 : i32
      %mul3A_154 = arith.constant 16 : i32
      %mul3A_155 = arith.muli %scan3A_153, %mul3A_154 : i32
      %swap3A_156 = arith.index_cast %mul3A_155 : i32 to index
      %swap3A_157 = tpu.vector_load %arg8[%swap3A_156] {strides = array<i32>} : memref<50000xf32, #tpu.memory_space<vmem>>, vector<16xf32>,
      tpu.vector_store %arg8[%swap3A_156], %broadcast_in_dim3A_15 {strides = array<i32>} : memref<50000xf32, #tpu.memory_space<vmem>>, vector<16xf32>,
      %scan3A_158 = arith.constant 0 : i32
      %scan3A_159 = arith.constant 18 : i32
      %scan3A_160 = arith.addi %scan3A_34, %scan3A_159 : i32
      %mul3A_161 = arith.constant 16 : i32
      %mul3A_162 = arith.muli %scan3A_160, %mul3A_161 : i32
      %swap3A_163 = arith.index_cast %mul3A_162 : i32 to index
      %swap3A_164 = tpu.vector_load %arg8[%swap3A_163] {strides = array<i32>} : memref<50000xf32, #tpu.memory_space<vmem>>, vector<16xf32>,
      tpu.vector_store %arg8[%swap3A_163], %broadcast_in_dim3A_15 {strides = array<i32>} : memref<50000xf32, #tpu.memory_space<vmem>>, vector<16xf32>,
      %scan3A_165 = arith.constant 0 : i32
      %scan3A_166 = arith.constant 19 : i32
      %scan3A_167 = arith.addi %scan3A_34, %scan3A_166 : i32
      %mul3A_168 = arith.constant 16 : i32
      %mul3A_169 = arith.muli %scan3A_167, %mul3A_168 : i32
      %swap3A_170 = arith.index_cast %mul3A_169 : i32 to index
      %swap3A_171 = tpu.vector_load %arg8[%swap3A_170] {strides = array<i32>} : memref<50000xf32, #tpu.memory_space<vmem>>, vector<16xf32>,
      tpu.vector_store %arg8[%swap3A_170], %broadcast_in_dim3A_15 {strides = array<i32>} : memref<50000xf32, #tpu.memory_space<vmem>>, vector<16xf32>,
      %scan3A_172 = arith.constant 0 : i32
      %scan3A_173 = arith.constant 20 : i32
      %scan3A_174 = arith.addi %scan3A_34, %scan3A_173 : i32
      %mul3A_175 = arith.constant 16 : i32
      %mul3A_176 = arith.muli %scan3A_174, %mul3A_175 : i32
      %swap3A_177 = arith.index_cast %mul3A_176 : i32 to index
      %swap3A_178 = tpu.vector_load %arg8[%swap3A_177] {strides = array<i32>} : memref<50000xf32, #tpu.memory_space<vmem>>, vector<16xf32>,
      tpu.vector_store %arg8[%swap3A_177], %broadcast_in_dim3A_15 {strides = array<i32>} : memref<50000xf32, #tpu.memory_space<vmem>>, vector<16xf32>,
      %scan3A_179 = arith.constant 0 : i32
      %scan3A_180 = arith.constant 21 : i32
      %scan3A_181 = arith.addi %scan3A_34, %scan3A_180 : i32
      %mul3A_182 = arith.constant 16 : i32
      %mul3A_183 = arith.muli %scan3A_181, %mul3A_182 : i32
      %swap3A_184 = arith.index_cast %mul3A_183 : i32 to index
      %swap3A_185 = tpu.vector_load %arg8[%swap3A_184] {strides = array<i32>} : memref<50000xf32, #tpu.memory_space<vmem>>, vector<16xf32>,
      tpu.vector_store %arg8[%swap3A_184], %broadcast_in_dim3A_15 {strides = array<i32>} : memref<50000xf32, #tpu.memory_space<vmem>>, vector<16xf32>,
      %scan3A_186 = arith.constant 0 : i32
      %scan3A_187 = arith.constant 22 : i32
      %scan3A_188 = arith.addi %scan3A_34, %scan3A_187 : i32
      %mul3A_189 = arith.constant 16 : i32
      %mul3A_190 = arith.muli %scan3A_188, %mul3A_189 : i32
      %swap3A_191 = arith.index_cast %mul3A_190 : i32 to index
      %swap3A_192 = tpu.vector_load %arg8[%swap3A_191] {strides = array<i32>} : memref<50000xf32, #tpu.memory_space<vmem>>, vector<16xf32>,
      tpu.vector_store %arg8[%swap3A_191], %broadcast_in_dim3A_15 {strides = array<i32>} : memref<50000xf32, #tpu.memory_space<vmem>>, vector<16xf32>,
      %scan3A_193 = arith.constant 0 : i32
      %scan3A_194 = arith.constant 23 : i32
      %scan3A_195 = arith.addi %scan3A_34, %scan3A_194 : i32
      %mul3A_196 = arith.constant 16 : i32
      %mul3A_197 = arith.muli %scan3A_195, %mul3A_196 : i32
      %swap3A_198 = arith.index_cast %mul3A_197 : i32 to index
      %swap3A_199 = tpu.vector_load %arg8[%swap3A_198] {strides = array<i32>} : memref<50000xf32, #tpu.memory_space<vmem>>, vector<16xf32>,
      tpu.vector_store %arg8[%swap3A_198], %broadcast_in_dim3A_15 {strides = array<i32>} : memref<50000xf32, #tpu.memory_space<vmem>>, vector<16xf32>,
      %scan3A_200 = arith.constant 0 : i32
      %scan3A_201 = arith.constant 24 : i32
      %scan3A_202 = arith.addi %scan3A_34, %scan3A_201 : i32
      %mul3A_203 = arith.constant 16 : i32
      %mul3A_204 = arith.muli %scan3A_202, %mul3A_203 : i32
      %swap3A_205 = arith.index_cast %mul3A_204 : i32 to index
      %swap3A_206 = tpu.vector_load %arg8[%swap3A_205] {strides = array<i32>} : memref<50000xf32, #tpu.memory_space<vmem>>, vector<16xf32>,
      tpu.vector_store %arg8[%swap3A_205], %broadcast_in_dim3A_15 {strides = array<i32>} : memref<50000xf32, #tpu.memory_space<vmem>>, vector<16xf32>,
      %scan3A_207 = arith.constant 0 : i32
      scf.yield %scan3A_207 : i32
    }
    %scan3A_21 = arith.constant 3125 : i32
    %dma_wait3A = arith.constant 0 : i32
    %dma_wait3A_22 = arith.constant 0 : i32
    %dma_wait3A_23 = tpu.memref_slice %arg2[%dma_wait3A, %dma_wait3A_22] : memref<1x50000xf32, #tpu.memory_space<hbm>> -> memref<1x50000xf32, #tpu.memory_space<hbm>>
    %dma_wait3A_24 = tpu.memref_squeeze %dma_wait3A_23 : memref<1x50000xf32, #tpu.memory_space<hbm>> -> memref<50000xf32, #tpu.memory_space<hbm>>
    %dma_wait3A_25 = arith.constant 0 : i32
    %dma_wait3A_26 = tpu.memref_slice %arg2[%dma_wait3A, %dma_wait3A_25] : memref<1x50000xf32, #tpu.memory_space<hbm>> -> memref<1x50000xf32, #tpu.memory_space<hbm>>
    %dma_wait3A_27 = tpu.memref_squeeze %dma_wait3A_26 : memref<1x50000xf32, #tpu.memory_space<hbm>> -> memref<50000xf32, #tpu.memory_space<hbm>>
    tpu.wait_dma2 semaphore(%arg9 : memref<!tpu.dma_semaphore, #tpu.memory_space<semaphore_mem>>) src(%dma_wait3A_27 : memref<50000xf32, #tpu.memory_space<hbm>>) dst(%arg5 : memref<50000xf32, #tpu.memory_space<vmem>>)
    %dma_wait3A_28 = tpu.memref_slice %arg3[%mul3A_2] : memref<640000xi32, #tpu.memory_space<hbm>> -> memref<10000xi32, #tpu.memory_space<hbm>>
    %dma_wait3A_29 = tpu.memref_slice %arg3[%mul3A_2] : memref<640000xi32, #tpu.memory_space<hbm>> -> memref<10000xi32, #tpu.memory_space<hbm>>
    tpu.wait_dma2 semaphore(%arg10 : memref<!tpu.dma_semaphore, #tpu.memory_space<semaphore_mem>>) src(%dma_wait3A_29 : memref<10000xi32, #tpu.memory_space<hbm>>) dst(%arg6 : memref<10000xi32, #tpu.memory_space<vmem>>)
    %dma_wait3A_30 = tpu.memref_slice %arg3[%add3A_12] : memref<640000xi32, #tpu.memory_space<hbm>> -> memref<10000xi32, #tpu.memory_space<hbm>>
    %dma_wait3A_31 = tpu.memref_slice %arg3[%add3A_12] : memref<640000xi32, #tpu.memory_space<hbm>> -> memref<10000xi32, #tpu.memory_space<hbm>>
    tpu.wait_dma2 semaphore(%arg11 : memref<!tpu.dma_semaphore, #tpu.memory_space<semaphore_mem>>) src(%dma_wait3A_31 : memref<10000xi32, #tpu.memory_space<hbm>>) dst(%arg7 : memref<10000xi32, #tpu.memory_space<vmem>>)
    %parallel_loop3A = arith.constant 0 : i32
    %parallel_loop3A_32 = arith.constant 625 : i32
    %parallel_loop3A_33 = arith.constant 1 : i32
    scf.for %parallel_loop3A_34 = %parallel_loop3A to %parallel_loop3A_32 step %parallel_loop3A_33  : i32 {
      %parallel_loop3A_35 = arith.constant 16 : i32
      %parallel_loop3A_36 = arith.muli %parallel_loop3A_34, %parallel_loop3A_35 : i32
      %parallel_loop3A_37 = arith.index_cast %parallel_loop3A_36 : i32 to index
      %parallel_loop3A_38 = tpu.vector_load %arg6[%parallel_loop3A_37] {strides = array<i32>} : memref<10000xi32, #tpu.memory_space<vmem>>, vector<16xi32>,
      %parallel_loop3A_39 = arith.constant 16 : i32
      %parallel_loop3A_40 = arith.muli %parallel_loop3A_34, %parallel_loop3A_39 : i32
      %parallel_loop3A_41 = arith.index_cast %parallel_loop3A_40 : i32 to index
      %parallel_loop3A_42 = tpu.vector_load %arg7[%parallel_loop3A_41] {strides = array<i32>} : memref<10000xi32, #tpu.memory_space<vmem>>, vector<16xi32>,
      %parallel_loop3A_43 = arith.constant 0 : i32
      %parallel_loop3A_44 = vector.broadcast %parallel_loop3A_43 : i32 to vector<16xi32>
      %parallel_loop3A_45 = arith.addi %parallel_loop3A_38, %parallel_loop3A_44 : vector<16xi32>
      %parallel_loop3A_46 = tpu.vector_load_idx %arg5[%parallel_loop3A_45] : memref<50000xf32, #tpu.memory_space<vmem>>[vector<16xi32>], vector<16xf32>,
      %parallel_loop3A_47 = arith.constant 0 : i32
      %parallel_loop3A_48 = vector.broadcast %parallel_loop3A_47 : i32 to vector<16xi32>
      %parallel_loop3A_49 = arith.addi %parallel_loop3A_42, %parallel_loop3A_48 : vector<16xi32>
      tpu.vector_store_idx %arg8[%parallel_loop3A_49], %parallel_loop3A_46 {add = true} : memref<50000xf32, #tpu.memory_space<vmem>>[vector<16xi32>], vector<16xf32>,
      %parallel_loop3A_50 = arith.constant 10000 : i32
      %parallel_loop3A_51 = vector.broadcast %parallel_loop3A_50 : i32 to vector<16xi32>
      %parallel_loop3A_52 = arith.addi %parallel_loop3A_38, %parallel_loop3A_51 : vector<16xi32>
      %parallel_loop3A_53 = tpu.vector_load_idx %arg5[%parallel_loop3A_52] : memref<50000xf32, #tpu.memory_space<vmem>>[vector<16xi32>], vector<16xf32>,
      %parallel_loop3A_54 = arith.constant 10000 : i32
      %parallel_loop3A_55 = vector.broadcast %parallel_loop3A_54 : i32 to vector<16xi32>
      %parallel_loop3A_56 = arith.addi %parallel_loop3A_42, %parallel_loop3A_55 : vector<16xi32>
      tpu.vector_store_idx %arg8[%parallel_loop3A_56], %parallel_loop3A_53 {add = true} : memref<50000xf32, #tpu.memory_space<vmem>>[vector<16xi32>], vector<16xf32>,
      %parallel_loop3A_57 = arith.constant 20000 : i32
      %parallel_loop3A_58 = vector.broadcast %parallel_loop3A_57 : i32 to vector<16xi32>
      %parallel_loop3A_59 = arith.addi %parallel_loop3A_38, %parallel_loop3A_58 : vector<16xi32>
      %parallel_loop3A_60 = tpu.vector_load_idx %arg5[%parallel_loop3A_59] : memref<50000xf32, #tpu.memory_space<vmem>>[vector<16xi32>], vector<16xf32>,
      %parallel_loop3A_61 = arith.constant 20000 : i32
      %parallel_loop3A_62 = vector.broadcast %parallel_loop3A_61 : i32 to vector<16xi32>
      %parallel_loop3A_63 = arith.addi %parallel_loop3A_42, %parallel_loop3A_62 : vector<16xi32>
      tpu.vector_store_idx %arg8[%parallel_loop3A_63], %parallel_loop3A_60 {add = true} : memref<50000xf32, #tpu.memory_space<vmem>>[vector<16xi32>], vector<16xf32>,
      %parallel_loop3A_64 = arith.constant 30000 : i32
      %parallel_loop3A_65 = vector.broadcast %parallel_loop3A_64 : i32 to vector<16xi32>
      %parallel_loop3A_66 = arith.addi %parallel_loop3A_38, %parallel_loop3A_65 : vector<16xi32>
      %parallel_loop3A_67 = tpu.vector_load_idx %arg5[%parallel_loop3A_66] : memref<50000xf32, #tpu.memory_space<vmem>>[vector<16xi32>], vector<16xf32>,
      %parallel_loop3A_68 = arith.constant 30000 : i32
      %parallel_loop3A_69 = vector.broadcast %parallel_loop3A_68 : i32 to vector<16xi32>
      %parallel_loop3A_70 = arith.addi %parallel_loop3A_42, %parallel_loop3A_69 : vector<16xi32>
      tpu.vector_store_idx %arg8[%parallel_loop3A_70], %parallel_loop3A_67 {add = true} : memref<50000xf32, #tpu.memory_space<vmem>>[vector<16xi32>], vector<16xf32>,
      %parallel_loop3A_71 = arith.constant 40000 : i32
      %parallel_loop3A_72 = vector.broadcast %parallel_loop3A_71 : i32 to vector<16xi32>
      %parallel_loop3A_73 = arith.addi %parallel_loop3A_38, %parallel_loop3A_72 : vector<16xi32>
      %parallel_loop3A_74 = tpu.vector_load_idx %arg5[%parallel_loop3A_73] : memref<50000xf32, #tpu.memory_space<vmem>>[vector<16xi32>], vector<16xf32>,
      %parallel_loop3A_75 = arith.constant 40000 : i32
      %parallel_loop3A_76 = vector.broadcast %parallel_loop3A_75 : i32 to vector<16xi32>
      %parallel_loop3A_77 = arith.addi %parallel_loop3A_42, %parallel_loop3A_76 : vector<16xi32>
      tpu.vector_store_idx %arg8[%parallel_loop3A_77], %parallel_loop3A_74 {add = true} : memref<50000xf32, #tpu.memory_space<vmem>>[vector<16xi32>], vector<16xf32>,
    } {sc.loop_unroll_factor = 4 : i64, sc.parallel_access}
    "tpu.region"() ({
      %run_scoped3A = tpu.sem_alloc : memref<!tpu.dma_semaphore, #tpu.memory_space<semaphore_mem>>
      %dma_start3A_34 = arith.constant 0 : i32
      %dma_start3A_35 = tpu.memref_slice %arg4[%add3A, %dma_start3A_34] : memref<32x50000xf32, #tpu.memory_space<hbm>> -> memref<1x50000xf32, #tpu.memory_space<hbm>>
      %dma_start3A_36 = tpu.memref_squeeze %dma_start3A_35 : memref<1x50000xf32, #tpu.memory_space<hbm>> -> memref<50000xf32, #tpu.memory_space<hbm>>
      %dma_start3A_37 = arith.constant 0 : i32
      %dma_start3A_38 = tpu.memref_slice %arg4[%add3A, %dma_start3A_37] : memref<32x50000xf32, #tpu.memory_space<hbm>> -> memref<1x50000xf32, #tpu.memory_space<hbm>>
      %dma_start3A_39 = tpu.memref_squeeze %dma_start3A_38 : memref<1x50000xf32, #tpu.memory_space<hbm>> -> memref<50000xf32, #tpu.memory_space<hbm>>
      tpu.enqueue_dma source(%arg8 : memref<50000xf32, #tpu.memory_space<vmem>>) target(%dma_start3A_39 : memref<50000xf32, #tpu.memory_space<hbm>>) target_semaphore(%run_scoped3A : memref<!tpu.dma_semaphore, #tpu.memory_space<semaphore_mem>>)
      %dma_wait3A_40 = arith.constant 0 : i32
      %dma_wait3A_41 = tpu.memref_slice %arg4[%add3A, %dma_wait3A_40] : memref<32x50000xf32, #tpu.memory_space<hbm>> -> memref<1x50000xf32, #tpu.memory_space<hbm>>
      %dma_wait3A_42 = tpu.memref_squeeze %dma_wait3A_41 : memref<1x50000xf32, #tpu.memory_space<hbm>> -> memref<50000xf32, #tpu.memory_space<hbm>>
      %dma_wait3A_43 = arith.constant 0 : i32
      %dma_wait3A_44 = tpu.memref_slice %arg4[%add3A, %dma_wait3A_43] : memref<32x50000xf32, #tpu.memory_space<hbm>> -> memref<1x50000xf32, #tpu.memory_space<hbm>>
      %dma_wait3A_45 = tpu.memref_squeeze %dma_wait3A_44 : memref<1x50000xf32, #tpu.memory_space<hbm>> -> memref<50000xf32, #tpu.memory_space<hbm>>
      tpu.wait_dma2 semaphore(%run_scoped3A : memref<!tpu.dma_semaphore, #tpu.memory_space<semaphore_mem>>) src(%arg8 : memref<50000xf32, #tpu.memory_space<vmem>>) dst(%dma_wait3A_45 : memref<50000xf32, #tpu.memory_space<hbm>>)
      tpu.yield
    }) : () -> ()
    return
  }
}

module attributes {stable_mosaic.version = 14 : i64} {
  func.func @_tc1_body(%arg0: memref<5x10000xf32, #tpu.memory_space<vmem>>, %arg1: memref<32x10000xf32, #tpu.memory_space<vmem>>, %arg2: memref<1x50000xf32, #tpu.memory_space<vmem>>, %arg3: memref<1x10000xf32, #tpu.memory_space<vmem>>) attributes {dimension_semantics = [], scalar_prefetch = 0 : i64, scratch_operands = 0 : i64, tpu.core_type = #tpu.core_type<tc>} {
    %get3A = arith.constant 0 : index
    %get3A_0 = arith.constant 0 : index
    %get3A_1 = vector.load %arg1[%get3A, %get3A_0] : memref<32x10000xf32, #tpu.memory_space<vmem>>, vector<32x10000xf32>
    %reduce_sum3A = arith.constant dense<0.000000e+00> : vector<10000xf32>
    %reduce_sum3A_2 = vector.multi_reduction <add>, %get3A_1, %reduce_sum3A [0] : vector<32x10000xf32> to vector<10000xf32>
    %broadcast_in_dim3A = vector.shape_cast %reduce_sum3A_2 : vector<10000xf32> to vector<1x10000xf32>
    %add3A = arith.constant 1.000000e+00 : f32
    %add3A_3 = vector.broadcast %add3A : f32 to vector<1x10000xf32>
    %add3A_4 = arith.addf %broadcast_in_dim3A, %add3A_3 : vector<1x10000xf32>
    %rsqrt3A = math.rsqrt %add3A_4 : vector<1x10000xf32>
    %get3A_5 = arith.constant 0 : index
    %get3A_6 = arith.constant 0 : index
    %get3A_7 = vector.load %arg0[%get3A_5, %get3A_6] : memref<5x10000xf32, #tpu.memory_space<vmem>>, vector<5x10000xf32>
    %mul3A = vector.broadcast %rsqrt3A : vector<1x10000xf32> to vector<5x10000xf32>
    %mul3A_8 = arith.mulf %get3A_7, %mul3A : vector<5x10000xf32>
    %slice3A = vector.extract_strided_slice %mul3A_8 {offsets = [0, 0], sizes = [1, 10000], strides = [1, 1]} : vector<5x10000xf32> to vector<1x10000xf32>
    %slice3A_9 = vector.extract_strided_slice %mul3A_8 {offsets = [1, 0], sizes = [1, 10000], strides = [1, 1]} : vector<5x10000xf32> to vector<1x10000xf32>
    %slice3A_10 = vector.extract_strided_slice %mul3A_8 {offsets = [2, 0], sizes = [1, 10000], strides = [1, 1]} : vector<5x10000xf32> to vector<1x10000xf32>
    %slice3A_11 = vector.extract_strided_slice %mul3A_8 {offsets = [3, 0], sizes = [1, 10000], strides = [1, 1]} : vector<5x10000xf32> to vector<1x10000xf32>
    %slice3A_12 = vector.extract_strided_slice %mul3A_8 {offsets = [4, 0], sizes = [1, 10000], strides = [1, 1]} : vector<5x10000xf32> to vector<1x10000xf32>
    %concatenate3A = tpu.concatenate %slice3A, %slice3A_9, %slice3A_10, %slice3A_11, %slice3A_12 in 1 : vector<1x10000xf32>, vector<1x10000xf32>, vector<1x10000xf32>, vector<1x10000xf32>, vector<1x10000xf32> -> vector<1x50000xf32>
    %swap3A = arith.constant 0 : index
    %swap3A_13 = arith.constant 0 : index
    %swap3A_14 = vector.load %arg2[%swap3A, %swap3A_13] : memref<1x50000xf32, #tpu.memory_space<vmem>>, vector<1x50000xf32>
    tpu.vector_store %arg2[%swap3A, %swap3A_13], %concatenate3A {strides = array<i32>} : memref<1x50000xf32, #tpu.memory_space<vmem>>, vector<1x50000xf32>,
    %swap3A_15 = arith.constant 0 : index
    %swap3A_16 = arith.constant 0 : index
    %swap3A_17 = vector.load %arg3[%swap3A_15, %swap3A_16] : memref<1x10000xf32, #tpu.memory_space<vmem>>, vector<1x10000xf32>
    tpu.vector_store %arg3[%swap3A_15, %swap3A_16], %rsqrt3A {strides = array<i32>} : memref<1x10000xf32, #tpu.memory_space<vmem>>, vector<1x10000xf32>,
    return
  }
}

module attributes {stable_mosaic.version = 14 : i64} {
  func.func @_tc_mm_body(%arg0: memref<10000x128xf32, #tpu.memory_space<vmem>>, %arg1: memref<128x5xf32, #tpu.memory_space<vmem>>, %arg2: memref<5x10000xf32, #tpu.memory_space<vmem>>) attributes {dimension_semantics = [], scalar_prefetch = 0 : i64, scratch_operands = 0 : i64, tpu.core_type = #tpu.core_type<tc>} {
    %get3A = arith.constant 0 : index
    %get3A_0 = arith.constant 0 : index
    %get3A_1 = vector.load %arg1[%get3A, %get3A_0] : memref<128x5xf32, #tpu.memory_space<vmem>>, vector<128x5xf32>
    %get3A_2 = arith.constant 0 : index
    %get3A_3 = arith.constant 0 : index
    %get3A_4 = vector.load %arg0[%get3A_2, %get3A_3] : memref<10000x128xf32, #tpu.memory_space<vmem>>, vector<10000x128xf32>
    %dot_general3A = arith.constant dense<0.000000e+00> : vector<5x10000xf32>
    %dot_general3A_5 = tpu.matmul %get3A_1, %get3A_4, %dot_general3A {dimension_numbers = #tpu.dot_dimension_numbers<[0], [1], [1], [0], [0, 1, 1, 0], [], []>, transpose_lhs_hint = false} : vector<128x5xf32>, vector<10000x128xf32>, vector<5x10000xf32> -> vector<5x10000xf32>
    %swap3A = arith.constant 0 : index
    %swap3A_6 = arith.constant 0 : index
    %swap3A_7 = vector.load %arg2[%swap3A, %swap3A_6] : memref<5x10000xf32, #tpu.memory_space<vmem>>, vector<5x10000xf32>
    tpu.vector_store %arg2[%swap3A, %swap3A_6], %dot_general3A_5 {strides = array<i32>} : memref<5x10000xf32, #tpu.memory_space<vmem>>, vector<5x10000xf32>,
    return
  }
}

module attributes {stable_mosaic.version = 14 : i64} {
  func.func @_tc2_body(%arg0: i32, %arg1: memref<16x50000xf32, #tpu.memory_space<vmem>>, %arg2: memref<1x50000xf32, #tpu.memory_space<vmem>>, %arg3: memref<1x10000xf32, #tpu.memory_space<vmem>>, %arg4: memref<5x1xf32, #tpu.memory_space<vmem>>, %arg5: memref<1x50000xf32, #tpu.memory_space<vmem>>, %arg6: memref<1x50000xf32, #tpu.memory_space<vmem>>) attributes {dimension_semantics = [#tpu.dimension_semantics<arbitrary>], iteration_bounds = array<i64: 2>, scalar_prefetch = 0 : i64, scratch_operands = 1 : i64, tpu.core_type = #tpu.core_type<tc>, window_params = [{transform_indices = @transform_0, window_bounds = array<i64: 16, 50000>}, {pipeline_mode = #tpu.pipeline_mode<synchronous>, transform_indices = @transform_1, window_bounds = array<i64: 1, 50000>}, {pipeline_mode = #tpu.pipeline_mode<synchronous>, transform_indices = @transform_2, window_bounds = array<i64: 1, 10000>}, {pipeline_mode = #tpu.pipeline_mode<synchronous>, transform_indices = @transform_3, window_bounds = array<i64: 5, 1>}, {pipeline_mode = #tpu.pipeline_mode<synchronous>, transform_indices = @transform_4, window_bounds = array<i64: 1, 50000>}]} {
    %get3A = arith.constant 0 : index
    %get3A_0 = arith.constant 0 : index
    %get3A_1 = vector.load %arg1[%get3A, %get3A_0] : memref<16x50000xf32, #tpu.memory_space<vmem>>, vector<16x50000xf32>
    %reduce_sum3A = arith.constant dense<0.000000e+00> : vector<50000xf32>
    %reduce_sum3A_2 = vector.multi_reduction <add>, %get3A_1, %reduce_sum3A [0] : vector<16x50000xf32> to vector<50000xf32>
    %broadcast_in_dim3A = vector.shape_cast %reduce_sum3A_2 : vector<50000xf32> to vector<1x50000xf32>
    %eq3A = arith.constant 0 : i32
    %eq3A_3 = arith.cmpi eq, %arg0, %eq3A : i32
    %convert_element_type3A = arith.extui %eq3A_3 : i1 to i32
    %cond3A = arith.constant 0 : i32
    %cond3A_4 = arith.cmpi ne, %convert_element_type3A, %cond3A : i32
    scf.if %cond3A_4 {
      %swap3A = arith.constant 0 : index
      %swap3A_14 = arith.constant 0 : index
      %swap3A_15 = vector.load %arg6[%swap3A, %swap3A_14] : memref<1x50000xf32, #tpu.memory_space<vmem>>, vector<1x50000xf32>
      tpu.vector_store %arg6[%swap3A, %swap3A_14], %broadcast_in_dim3A {strides = array<i32>} : memref<1x50000xf32, #tpu.memory_space<vmem>>, vector<1x50000xf32>,
    } else {
    }
    %gt3A = arith.constant 0 : i32
    %gt3A_5 = arith.cmpi sgt, %arg0, %gt3A : i32
    %convert_element_type3A_6 = arith.extui %gt3A_5 : i1 to i32
    %cond3A_7 = arith.constant 0 : i32
    %cond3A_8 = arith.cmpi ne, %convert_element_type3A_6, %cond3A_7 : i32
    scf.if %cond3A_8 {
      %get3A_14 = arith.constant 0 : index
      %get3A_15 = arith.constant 0 : index
      %get3A_16 = vector.load %arg6[%get3A_14, %get3A_15] : memref<1x50000xf32, #tpu.memory_space<vmem>>, vector<1x50000xf32>
      %add3A = arith.addf %get3A_16, %broadcast_in_dim3A : vector<1x50000xf32>
      %swap3A = arith.constant 0 : index
      %swap3A_17 = arith.constant 0 : index
      %swap3A_18 = vector.load %arg6[%swap3A, %swap3A_17] : memref<1x50000xf32, #tpu.memory_space<vmem>>, vector<1x50000xf32>
      tpu.vector_store %arg6[%swap3A, %swap3A_17], %add3A {strides = array<i32>} : memref<1x50000xf32, #tpu.memory_space<vmem>>, vector<1x50000xf32>,
    } else {
    }
    %eq3A_9 = arith.constant 1 : i32
    %eq3A_10 = arith.cmpi eq, %arg0, %eq3A_9 : i32
    %convert_element_type3A_11 = arith.extui %eq3A_10 : i1 to i32
    %cond3A_12 = arith.constant 0 : i32
    %cond3A_13 = arith.cmpi ne, %convert_element_type3A_11, %cond3A_12 : i32
    scf.if %cond3A_13 {
      %get3A_14 = arith.constant 0 : index
      %get3A_15 = arith.constant 0 : index
      %get3A_16 = vector.load %arg3[%get3A_14, %get3A_15] : memref<1x10000xf32, #tpu.memory_space<vmem>>, vector<1x10000xf32>
      %concatenate3A = tpu.concatenate %get3A_16, %get3A_16, %get3A_16, %get3A_16, %get3A_16 in 1 : vector<1x10000xf32>, vector<1x10000xf32>, vector<1x10000xf32>, vector<1x10000xf32>, vector<1x10000xf32> -> vector<1x50000xf32>
      %get3A_17 = arith.constant 0 : index
      %get3A_18 = arith.constant 0 : index
      %get3A_19 = vector.load %arg4[%get3A_17, %get3A_18] : memref<5x1xf32, #tpu.memory_space<vmem>>, vector<1x1xf32>
      %get3A_20 = vector.extract %get3A_19[0, 0] : f32 from vector<1x1xf32>
      %broadcast_in_dim3A_21 = vector.broadcast %get3A_20 : f32 to vector<1x10000xf32>
      %get3A_22 = arith.constant 1 : index
      %get3A_23 = arith.constant 0 : index
      %get3A_24 = vector.load %arg4[%get3A_22, %get3A_23] : memref<5x1xf32, #tpu.memory_space<vmem>>, vector<1x1xf32>
      %get3A_25 = vector.extract %get3A_24[0, 0] : f32 from vector<1x1xf32>
      %broadcast_in_dim3A_26 = vector.broadcast %get3A_25 : f32 to vector<1x10000xf32>
      %get3A_27 = arith.constant 2 : index
      %get3A_28 = arith.constant 0 : index
      %get3A_29 = vector.load %arg4[%get3A_27, %get3A_28] : memref<5x1xf32, #tpu.memory_space<vmem>>, vector<1x1xf32>
      %get3A_30 = vector.extract %get3A_29[0, 0] : f32 from vector<1x1xf32>
      %broadcast_in_dim3A_31 = vector.broadcast %get3A_30 : f32 to vector<1x10000xf32>
      %get3A_32 = arith.constant 3 : index
      %get3A_33 = arith.constant 0 : index
      %get3A_34 = vector.load %arg4[%get3A_32, %get3A_33] : memref<5x1xf32, #tpu.memory_space<vmem>>, vector<1x1xf32>
      %get3A_35 = vector.extract %get3A_34[0, 0] : f32 from vector<1x1xf32>
      %broadcast_in_dim3A_36 = vector.broadcast %get3A_35 : f32 to vector<1x10000xf32>
      %get3A_37 = arith.constant 4 : index
      %get3A_38 = arith.constant 0 : index
      %get3A_39 = vector.load %arg4[%get3A_37, %get3A_38] : memref<5x1xf32, #tpu.memory_space<vmem>>, vector<1x1xf32>
      %get3A_40 = vector.extract %get3A_39[0, 0] : f32 from vector<1x1xf32>
      %broadcast_in_dim3A_41 = vector.broadcast %get3A_40 : f32 to vector<1x10000xf32>
      %concatenate3A_42 = tpu.concatenate %broadcast_in_dim3A_21, %broadcast_in_dim3A_26, %broadcast_in_dim3A_31, %broadcast_in_dim3A_36, %broadcast_in_dim3A_41 in 1 : vector<1x10000xf32>, vector<1x10000xf32>, vector<1x10000xf32>, vector<1x10000xf32>, vector<1x10000xf32> -> vector<1x50000xf32>
      %get3A_43 = arith.constant 0 : index
      %get3A_44 = arith.constant 0 : index
      %get3A_45 = vector.load %arg6[%get3A_43, %get3A_44] : memref<1x50000xf32, #tpu.memory_space<vmem>>, vector<1x50000xf32>
      %get3A_46 = arith.constant 0 : index
      %get3A_47 = arith.constant 0 : index
      %get3A_48 = vector.load %arg2[%get3A_46, %get3A_47] : memref<1x50000xf32, #tpu.memory_space<vmem>>, vector<1x50000xf32>
      %add3A = arith.addf %get3A_45, %get3A_48 : vector<1x50000xf32>
      %mul3A = arith.mulf %concatenate3A, %add3A : vector<1x50000xf32>
      %add3A_49 = arith.addf %mul3A, %concatenate3A_42 : vector<1x50000xf32>
      %max3A = arith.constant 0.000000e+00 : f32
      %max3A_50 = vector.broadcast %max3A : f32 to vector<1x50000xf32>
      %max3A_51 = arith.maximumf %add3A_49, %max3A_50 : vector<1x50000xf32>
      %mul3A_52 = arith.mulf %max3A_51, %concatenate3A : vector<1x50000xf32>
      %swap3A = arith.constant 0 : index
      %swap3A_53 = arith.constant 0 : index
      %swap3A_54 = vector.load %arg5[%swap3A, %swap3A_53] : memref<1x50000xf32, #tpu.memory_space<vmem>>, vector<1x50000xf32>
      tpu.vector_store %arg5[%swap3A, %swap3A_53], %mul3A_52 {strides = array<i32>} : memref<1x50000xf32, #tpu.memory_space<vmem>>, vector<1x50000xf32>,
    } else {
    }
    return
  }
  func.func @transform_0(%arg0: i32) -> (i32, i32) {
    %c0_i32 = arith.constant 0 : i32
    %c0_i32_0 = arith.constant 0 : i32
    return %arg0, %c0_i32 : i32, i32
  }
  func.func @transform_1(%arg0: i32) -> (i32, i32) {
    %c0_i32 = arith.constant 0 : i32
    %c0_i32_0 = arith.constant 0 : i32
    %c0_i32_1 = arith.constant 0 : i32
    return %c0_i32, %c0_i32_0 : i32, i32
  }
  func.func @transform_2(%arg0: i32) -> (i32, i32) {
    %c0_i32 = arith.constant 0 : i32
    %c0_i32_0 = arith.constant 0 : i32
    %c0_i32_1 = arith.constant 0 : i32
    return %c0_i32, %c0_i32_0 : i32, i32
  }
  func.func @transform_3(%arg0: i32) -> (i32, i32) {
    %c0_i32 = arith.constant 0 : i32
    %c0_i32_0 = arith.constant 0 : i32
    %c0_i32_1 = arith.constant 0 : i32
    return %c0_i32, %c0_i32_0 : i32, i32
  }
  func.func @transform_4(%arg0: i32) -> (i32, i32) {
    %c0_i32 = arith.constant 0 : i32
    %c0_i32_0 = arith.constant 0 : i32
    %c0_i32_1 = arith.constant 0 : i32
    return %c0_i32, %c0_i32_0 : i32, i32
  }
}

module attributes {stable_mosaic.version = 14 : i64} {
  func.func @_tc3_body(%arg0: i32, %arg1: memref<16x50000xf32, #tpu.memory_space<vmem>>, %arg2: memref<1x50000xf32, #tpu.memory_space<vmem>>, %arg3: memref<1x10000xf32, #tpu.memory_space<vmem>>, %arg4: memref<5x40xf32, #tpu.memory_space<vmem>>, %arg5: memref<40x1xf32, #tpu.memory_space<vmem>>, %arg6: memref<40x10000xf32, #tpu.memory_space<vmem>>, %arg7: memref<1x50000xf32, #tpu.memory_space<vmem>>) attributes {dimension_semantics = [#tpu.dimension_semantics<arbitrary>], iteration_bounds = array<i64: 2>, scalar_prefetch = 0 : i64, scratch_operands = 1 : i64, tpu.core_type = #tpu.core_type<tc>, window_params = [{transform_indices = @transform_0, window_bounds = array<i64: 16, 50000>}, {pipeline_mode = #tpu.pipeline_mode<synchronous>, transform_indices = @transform_1, window_bounds = array<i64: 1, 50000>}, {pipeline_mode = #tpu.pipeline_mode<synchronous>, transform_indices = @transform_2, window_bounds = array<i64: 1, 10000>}, {pipeline_mode = #tpu.pipeline_mode<synchronous>, transform_indices = @transform_3, window_bounds = array<i64: 5, 40>}, {pipeline_mode = #tpu.pipeline_mode<synchronous>, transform_indices = @transform_4, window_bounds = array<i64: 40, 1>}, {pipeline_mode = #tpu.pipeline_mode<synchronous>, transform_indices = @transform_5, window_bounds = array<i64: 40, 10000>}]} {
    %get3A = arith.constant 0 : index
    %get3A_0 = arith.constant 0 : index
    %get3A_1 = vector.load %arg1[%get3A, %get3A_0] : memref<16x50000xf32, #tpu.memory_space<vmem>>, vector<16x50000xf32>
    %reduce_sum3A = arith.constant dense<0.000000e+00> : vector<50000xf32>
    %reduce_sum3A_2 = vector.multi_reduction <add>, %get3A_1, %reduce_sum3A [0] : vector<16x50000xf32> to vector<50000xf32>
    %broadcast_in_dim3A = vector.shape_cast %reduce_sum3A_2 : vector<50000xf32> to vector<1x50000xf32>
    %eq3A = arith.constant 0 : i32
    %eq3A_3 = arith.cmpi eq, %arg0, %eq3A : i32
    %convert_element_type3A = arith.extui %eq3A_3 : i1 to i32
    %cond3A = arith.constant 0 : i32
    %cond3A_4 = arith.cmpi ne, %convert_element_type3A, %cond3A : i32
    scf.if %cond3A_4 {
      %swap3A = arith.constant 0 : index
      %swap3A_14 = arith.constant 0 : index
      %swap3A_15 = vector.load %arg7[%swap3A, %swap3A_14] : memref<1x50000xf32, #tpu.memory_space<vmem>>, vector<1x50000xf32>
      tpu.vector_store %arg7[%swap3A, %swap3A_14], %broadcast_in_dim3A {strides = array<i32>} : memref<1x50000xf32, #tpu.memory_space<vmem>>, vector<1x50000xf32>,
    } else {
    }
    %gt3A = arith.constant 0 : i32
    %gt3A_5 = arith.cmpi sgt, %arg0, %gt3A : i32
    %convert_element_type3A_6 = arith.extui %gt3A_5 : i1 to i32
    %cond3A_7 = arith.constant 0 : i32
    %cond3A_8 = arith.cmpi ne, %convert_element_type3A_6, %cond3A_7 : i32
    scf.if %cond3A_8 {
      %get3A_14 = arith.constant 0 : index
      %get3A_15 = arith.constant 0 : index
      %get3A_16 = vector.load %arg7[%get3A_14, %get3A_15] : memref<1x50000xf32, #tpu.memory_space<vmem>>, vector<1x50000xf32>
      %add3A = arith.addf %get3A_16, %broadcast_in_dim3A : vector<1x50000xf32>
      %swap3A = arith.constant 0 : index
      %swap3A_17 = arith.constant 0 : index
      %swap3A_18 = vector.load %arg7[%swap3A, %swap3A_17] : memref<1x50000xf32, #tpu.memory_space<vmem>>, vector<1x50000xf32>
      tpu.vector_store %arg7[%swap3A, %swap3A_17], %add3A {strides = array<i32>} : memref<1x50000xf32, #tpu.memory_space<vmem>>, vector<1x50000xf32>,
    } else {
    }
    %eq3A_9 = arith.constant 1 : i32
    %eq3A_10 = arith.cmpi eq, %arg0, %eq3A_9 : i32
    %convert_element_type3A_11 = arith.extui %eq3A_10 : i1 to i32
    %cond3A_12 = arith.constant 0 : i32
    %cond3A_13 = arith.cmpi ne, %convert_element_type3A_11, %cond3A_12 : i32
    scf.if %cond3A_13 {
      %get3A_14 = arith.constant 0 : index
      %get3A_15 = arith.constant 0 : index
      %get3A_16 = vector.load %arg3[%get3A_14, %get3A_15] : memref<1x10000xf32, #tpu.memory_space<vmem>>, vector<1x10000xf32>
      %concatenate3A = tpu.concatenate %get3A_16, %get3A_16, %get3A_16, %get3A_16, %get3A_16 in 1 : vector<1x10000xf32>, vector<1x10000xf32>, vector<1x10000xf32>, vector<1x10000xf32>, vector<1x10000xf32> -> vector<1x50000xf32>
      %get3A_17 = arith.constant 0 : index
      %get3A_18 = arith.constant 0 : index
      %get3A_19 = vector.load %arg7[%get3A_17, %get3A_18] : memref<1x50000xf32, #tpu.memory_space<vmem>>, vector<1x50000xf32>
      %get3A_20 = arith.constant 0 : index
      %get3A_21 = arith.constant 0 : index
      %get3A_22 = vector.load %arg2[%get3A_20, %get3A_21] : memref<1x50000xf32, #tpu.memory_space<vmem>>, vector<1x50000xf32>
      %add3A = arith.addf %get3A_19, %get3A_22 : vector<1x50000xf32>
      %mul3A = arith.mulf %concatenate3A, %add3A : vector<1x50000xf32>
      %slice3A = vector.extract_strided_slice %mul3A {offsets = [0, 0], sizes = [1, 10000], strides = [1, 1]} : vector<1x50000xf32> to vector<1x10000xf32>
      %slice3A_23 = vector.extract_strided_slice %mul3A {offsets = [0, 10000], sizes = [1, 10000], strides = [1, 1]} : vector<1x50000xf32> to vector<1x10000xf32>
      %slice3A_24 = vector.extract_strided_slice %mul3A {offsets = [0, 20000], sizes = [1, 10000], strides = [1, 1]} : vector<1x50000xf32> to vector<1x10000xf32>
      %slice3A_25 = vector.extract_strided_slice %mul3A {offsets = [0, 30000], sizes = [1, 10000], strides = [1, 1]} : vector<1x50000xf32> to vector<1x10000xf32>
      %slice3A_26 = vector.extract_strided_slice %mul3A {offsets = [0, 40000], sizes = [1, 10000], strides = [1, 1]} : vector<1x50000xf32> to vector<1x10000xf32>
      %concatenate3A_27 = tpu.concatenate %slice3A, %slice3A_23, %slice3A_24, %slice3A_25, %slice3A_26 in 0 : vector<1x10000xf32>, vector<1x10000xf32>, vector<1x10000xf32>, vector<1x10000xf32>, vector<1x10000xf32> -> vector<5x10000xf32>
      %get3A_28 = arith.constant 0 : index
      %get3A_29 = arith.constant 0 : index
      %get3A_30 = vector.load %arg4[%get3A_28, %get3A_29] : memref<5x40xf32, #tpu.memory_space<vmem>>, vector<5x40xf32>
      %dot_general3A = arith.constant dense<0.000000e+00> : vector<40x10000xf32>
      %dot_general3A_31 = tpu.matmul %get3A_30, %concatenate3A_27, %dot_general3A {dimension_numbers = #tpu.dot_dimension_numbers<[0], [0], [1], [1], [0, 1, 1, 1], [], []>, transpose_lhs_hint = false} : vector<5x40xf32>, vector<5x10000xf32>, vector<40x10000xf32> -> vector<40x10000xf32>
      %get3A_32 = arith.constant 0 : index
      %get3A_33 = arith.constant 0 : index
      %get3A_34 = vector.load %arg5[%get3A_32, %get3A_33] : memref<40x1xf32, #tpu.memory_space<vmem>>, vector<40x1xf32>
      %add3A_35 = vector.broadcast %get3A_34 : vector<40x1xf32> to vector<40x10000xf32>
      %add3A_36 = arith.addf %dot_general3A_31, %add3A_35 : vector<40x10000xf32>
      %reduce_max3A = arith.constant dense<0xFF800000> : vector<10000xf32>
      %reduce_max3A_37 = vector.multi_reduction <maximumf>, %add3A_36, %reduce_max3A [0] : vector<40x10000xf32> to vector<10000xf32>
      %broadcast_in_dim3A_38 = vector.shape_cast %reduce_max3A_37 : vector<10000xf32> to vector<1x10000xf32>
      %sub3A = vector.broadcast %broadcast_in_dim3A_38 : vector<1x10000xf32> to vector<40x10000xf32>
      %sub3A_39 = arith.subf %add3A_36, %sub3A : vector<40x10000xf32>
      %exp3A = math.exp %sub3A_39 : vector<40x10000xf32>
      %reduce_sum3A_40 = arith.constant dense<0.000000e+00> : vector<10000xf32>
      %reduce_sum3A_41 = vector.multi_reduction <add>, %exp3A, %reduce_sum3A_40 [0] : vector<40x10000xf32> to vector<10000xf32>
      %broadcast_in_dim3A_42 = vector.shape_cast %reduce_sum3A_41 : vector<10000xf32> to vector<1x10000xf32>
      %log3A = math.log %broadcast_in_dim3A_42 : vector<1x10000xf32>
      %add3A_43 = arith.addf %log3A, %broadcast_in_dim3A_38 : vector<1x10000xf32>
      %sub3A_44 = vector.broadcast %add3A_43 : vector<1x10000xf32> to vector<40x10000xf32>
      %sub3A_45 = arith.subf %add3A_36, %sub3A_44 : vector<40x10000xf32>
      %swap3A = arith.constant 0 : index
      %swap3A_46 = arith.constant 0 : index
      %swap3A_47 = vector.load %arg6[%swap3A, %swap3A_46] : memref<40x10000xf32, #tpu.memory_space<vmem>>, vector<40x10000xf32>
      tpu.vector_store %arg6[%swap3A, %swap3A_46], %sub3A_45 {strides = array<i32>} : memref<40x10000xf32, #tpu.memory_space<vmem>>, vector<40x10000xf32>,
    } else {
    }
    return
  }
  func.func @transform_0(%arg0: i32) -> (i32, i32) {
    %c0_i32 = arith.constant 0 : i32
    %c0_i32_0 = arith.constant 0 : i32
    return %arg0, %c0_i32 : i32, i32
  }
  func.func @transform_1(%arg0: i32) -> (i32, i32) {
    %c0_i32 = arith.constant 0 : i32
    %c0_i32_0 = arith.constant 0 : i32
    %c0_i32_1 = arith.constant 0 : i32
    return %c0_i32, %c0_i32_0 : i32, i32
  }
  func.func @transform_2(%arg0: i32) -> (i32, i32) {
    %c0_i32 = arith.constant 0 : i32
    %c0_i32_0 = arith.constant 0 : i32
    %c0_i32_1 = arith.constant 0 : i32
    return %c0_i32, %c0_i32_0 : i32, i32
  }
  func.func @transform_3(%arg0: i32) -> (i32, i32) {
    %c0_i32 = arith.constant 0 : i32
    %c0_i32_0 = arith.constant 0 : i32
    %c0_i32_1 = arith.constant 0 : i32
    return %c0_i32, %c0_i32_0 : i32, i32
  }
  func.func @transform_4(%arg0: i32) -> (i32, i32) {
    %c0_i32 = arith.constant 0 : i32
    %c0_i32_0 = arith.constant 0 : i32
    %c0_i32_1 = arith.constant 0 : i32
    return %c0_i32, %c0_i32_0 : i32, i32
  }
  func.func @transform_5(%arg0: i32) -> (i32, i32) {
    %c0_i32 = arith.constant 0 : i32
    %c0_i32_0 = arith.constant 0 : i32
    %c0_i32_1 = arith.constant 0 : i32
    return %c0_i32, %c0_i32_0 : i32, i32
  }
}

</mosaic_0001>

<sc_bundles>
// kernel: kernel.12.cloned.1.call-start
scs
__scs_entry_jumppad:
0x0: {  	(pc) =	sbr.rel $0x88, $3  }
0x1: {  	(tag) =	ssettag $0x0;
	lr =	simm.s32 $0x1  }
0x2: {  	[smem:$0x3F9B] =	sst lr;
	_ =	strace $0xD0000000  }
0x3: {  	_ = 	snop  }
0x4: {  	_ = 	snop  }
0x5: {  	_ = 	snop  }
0x6: {  	_ = 	snop  }
0x7: {  	_ = 	snop  }
__scs_overlays_trampoline_lowered:
0x8: {  	[smem:$0x3FAA] =	sst s0  }
0x9: {  	[smem:$0x3FAB] =	sst s1  }
0xa: {  	[smem:$0x3FAC] =	sst s2  }
0xb: {  	[smem:$0x3FAD] =	sst s3  }
0xc: {  	[smem:$0x3FAE] =	sst s4  }
0xd: {  	[smem:$0x3FAF] =	sst s5  }
0xe: {  	[smem:$0x3FB0] =	sst s6  }
0xf: {  	[smem:$0x3FB1] =	sst s7  }
0x10: {  	[smem:$0x3FB2] =	sst s8  }
0x11: {  	[smem:$0x3FB3] =	sst s9;
	s0 =	simm.s32 @!p0 $0x0  }
0x12: {  	s1 =	sld [smem:$0x3F99];
	s0 =	simm.s32 @p0 $0x1  }
0x13: {  	[smem:$0x3FB4] =	sst s0;
	s0 =	simm.s32 @!p1 $0x0  }
0x14: {  	s2 =	sld [smem:$0x3F98];
	s0 =	simm.s32 @p1 $0x1  }
0x15: {  	[smem:$0x3FB5] =	sst s0;
	s0 =	simm.s32 @!p2 $0x0  }
0x16: {  	s3 =	sld [smem:$0x3FDB];
	s0 =	simm.s32 @p2 $0x1  }
0x17: {  	s4 =	simm.s32 $0x1BF5;
	[smem:$0x3FB7] =	sst s0  }
0x18: {  	s0 =	sld [smem:$0x3F9A];
	_ =	swait.ge [sflag:s4], $0x0  }
0x19: {  	s7 =	sld [smem:$0x3F9B]  }
0x1a: {  	s8 =	sadd.s32 $0xFFFFE003, lr  }
0x1b: {  	s9 =	sadd.s32 $0xFFFFFEF7, lr;
	s5 =	simm.s32 $0xFFFFFFFF;
	p2 =	slt.u32 s8, $0xFFFFF086  }
0x1c: {  	p1 =	slt.u32 s9, $0xF7A;
	s5 =	simm.s32 @!p2 $0x0  }
0x1d: {  	s5 =	simm.s32 @p1 $0x1;
	p0 =	seq.s32 s7, s2  }
0x1e: {  	s7 =	smul.u32 @!p0 $0xF7A, s2;
	p2 =	seq.s32 @!p0 s5, $0x0  }
0x1f: {  	s9 =	smul.u32 $0xF7A, s1;
	s8 =	simm.s32 @!p0 $0x1BF5;
	p2 =	por !p2, p0  }
0x20: {  	[sflag:s8] =	ssyncset.s32 @!p0 $0xFFFFF086;
	s6 =	sadd.s32 @!p0 s3, s7;
	s7 =	simm.s32 @!p0 $0x108  }
0x21: {  	s3 =	sadd.s32 s3, s9;
	s6 =	sadd.s32 @!p0 $0x88, s6;
	s7 =	simm.s32 @p2 $0x1082  }
0x22: {  	[simem:s7], [sflag:s8] =	dma.local @!p0 [hbm:s6], $0xF7A  }
0x23: {  	s9 =	sor.u32 $0xD0000000, s2;
	s6 =	simm.s32 $0x108;
	_ =	swait.ge @!p0 [sflag:s8], $0x0  }
0x24: {  	s3 =	sadd.s32 $0x88, s3;
	s6 =	simm.s32 @!p1 $0x1082;
	[sflag:s4] =	ssyncset.s32 $0xFFFFF086  }
0x25: {  	[simem:s6], [sflag:s4] =	dma.local [hbm:s3], $0xF7A  }
0x26: {  	[smem:$0x3F9B] =	sst s1;
	(tag) =	ssettag s2;
	_ =	strace s9  }
0x27: {  	s1 =	sld [smem:$0x3FAB]  }
0x28: {  	s2 =	sld [smem:$0x3FAC]  }
0x29: {  	s4 =	sld [smem:$0x3FAE]  }
0x2a: {  	p0 =	seq.s32 s5, $0x0;
	s5 =	sld [smem:$0x3FAF]  }
0x2b: {  	s6 =	sld [smem:$0x3FB0]  }
0x2c: {  	s7 =	sld [smem:$0x3FB1]  }
0x2d: {  	s3 =	simm.s32 $0x108;
	s8 =	sld [smem:$0x3FB2]  }
0x2e: {  	s3 =	simm.s32 @!p0 $0x1082;
	s9 =	sld [smem:$0x3FB3]  }
0x2f: {  	lr =	sadd.s32 s0, s3;
	s0 =	sld [smem:$0x3FAA]  }
0x30: {  	s3 =	sld [smem:$0x3FAD]  }
0x31: {  	[smem:$0x3FB6] =	sst s10  }
0x32: {  	s10 =	sld [smem:$0x3FB4];
	_ =	sdelay $0x3  }
0x33: {  	p0 =	seq.s32 s10, $0x1;
	s10 =	sld [smem:$0x3FB6];
	_ =	sdelay $0x3  }
0x34: {  	[smem:$0x3FB6] =	sst s10  }
0x35: {  	s10 =	sld [smem:$0x3FB5];
	_ =	sdelay $0x3  }
0x36: {  	p1 =	seq.s32 s10, $0x1;
	s10 =	sld [smem:$0x3FB6];
	_ =	sdelay $0x3  }
0x37: {  	[smem:$0x3FB6] =	sst s10  }
0x38: {  	s10 =	sld [smem:$0x3FB7]  }
0x39: {  	_ = 	snop;
	(pc) =	sbr.ind lr, $3  }
0x3a: {  	_ = 	snop  }
0x3b: {  	_ = 	snop  }
0x3c: {  	p2 =	seq.s32 s10, $0x1;
	s10 =	sld [smem:$0x3FB6]  }
0x3d: {  	_ =	shalt  }
0x3e: {  	_ =	shalt  }
0x3f: {  	_ =	shalt  }
0x40: {  	_ =	shalt  }
0x41: {  	_ =	shalt  }
0x42: {  	_ =	shalt  }
0x43: {  	_ =	shalt  }
0x44: {  	_ =	shalt  }
0x45: {  	_ =	shalt  }
0x46: {  	_ =	shalt  }
0x47: {  	_ =	shalt  }
0x48: {  	_ =	shalt  }
0x49: {  	_ =	shalt  }
0x4a: {  	_ =	shalt  }
0x4b: {  	_ =	shalt  }
0x4c: {  	_ =	shalt  }
0x4d: {  	_ =	shalt  }
0x4e: {  	_ =	shalt  }
0x4f: {  	_ =	shalt  }
0x50: {  	_ =	shalt  }
0x51: {  	_ =	shalt  }
0x52: {  	_ =	shalt  }
0x53: {  	_ =	shalt  }
0x54: {  	_ =	shalt  }
0x55: {  	_ =	shalt  }
0x56: {  	_ =	shalt  }
0x57: {  	_ =	shalt  }
0x58: {  	_ =	shalt  }
0x59: {  	_ =	shalt  }
0x5a: {  	_ =	shalt  }
0x5b: {  	_ =	shalt  }
0x5c: {  	_ =	shalt  }
0x5d: {  	_ =	shalt  }
0x5e: {  	_ =	shalt  }
0x5f: {  	_ =	shalt  }
0x60: {  	_ =	shalt  }
0x61: {  	_ =	shalt  }
0x62: {  	_ =	shalt  }
0x63: {  	_ =	shalt  }
0x64: {  	_ =	shalt  }
0x65: {  	_ =	shalt  }
0x66: {  	_ =	shalt  }
0x67: {  	_ =	shalt  }
0x68: {  	_ =	shalt  }
0x69: {  	_ =	shalt  }
0x6a: {  	_ =	shalt  }
0x6b: {  	_ =	shalt  }
0x6c: {  	_ =	shalt  }
0x6d: {  	_ =	shalt  }
0x6e: {  	_ =	shalt  }
0x6f: {  	_ =	shalt  }
0x70: {  	_ =	shalt  }
0x71: {  	_ =	shalt  }
0x72: {  	_ =	shalt  }
0x73: {  	_ =	shalt  }
0x74: {  	_ =	shalt  }
0x75: {  	_ =	shalt  }
0x76: {  	_ =	shalt  }
0x77: {  	_ =	shalt  }
0x78: {  	_ =	shalt  }
0x79: {  	_ =	shalt  }
0x7a: {  	_ =	shalt  }
0x7b: {  	_ =	shalt  }
0x7c: {  	_ =	shalt  }
0x7d: {  	_ =	shalt  }
0x7e: {  	_ =	shalt  }
0x7f: {  	_ =	shalt  }
0x80: {  	_ =	shalt  }
0x81: {  	_ =	shalt  }
0x82: {  	_ =	shalt  }
0x83: {  	_ =	shalt  }
0x84: {  	_ =	shalt  }
0x85: {  	_ =	shalt  }
0x86: {  	_ =	shalt  }
0x87: {  	_ =	shalt  }
.Lfunc_end0:
.L_simem_size_0:
called_computation.1_lowered:
.L_overlay_start_0:
0x88: {  	s2 =	sld [smem:$0x3FD9]  }
0x89: {  	s3 =	sld [smem:$0x3FFE];
	_ =	sdelay $0x1  }
0x8a: {  	s1 =	srdreg.scid  }
0x8b: {  	s0 =	sand.u32 $0x1, s1  }
0x8c: {  	s17 =	sshll.u32 s0, $0xA;
	s2 =	sadd.s32 s3, s2  }
0x8d: {  	s2 =	sadd.s32 s2, s17  }
0x8e: {  	[smem:$0x3FC2] =	sst s2  }
0x8f: {  	_ = 	snop  }
0x90: {  	s2 =	sld [smem:$0x3FD0];
	(tm) =	ssettm $0x1  }
0x91: {  	s18 =	sld [smem:$0x3FFB];
	_ =	sdelay $0x3  }
0x92: {  	_ =	strace s18  }
0x93: {  	s3 =	sld [smem:$0x3FFC];
	_ =	sdelay $0x3  }
0x94: {  	_ =	strace s3  }
0x95: {  	s3 =	sld [smem:$0x3FFD];
	_ =	sdelay $0x3  }
0x96: {  	_ =	strace s3  }
0x97: {  	_ =	strace $0x8FFFFFFF  }
0x98: {  	s19 =	sld [smem:$0x3FDB];
	_ =	sdelay $0x1  }
0x99: {  	s4 =	simm.s32 $_scs_section_size  }
0x9a: {  	s5 =	simm.s32 $_size__tile_overlayer_lowered;
	s6 =	simm.s32 $_tile_overlayer_lowered  }
0x9b: {  	s22 =	simm.s32 $0x1BFF;
	s21 =	sshll.u32 s6, $0x1;
	s3 =	sadd.s32 s4, s19  }
0x9c: {  	s7 =	simm.s32 $0x0;
	s20 =	sshll.u32 s5, $0x1;
	s5 =	sadd.s32 s21, s3  }
0x9d: {  	[timem:s7], [sflag:s22] =	dma.local [hbm:s5], s20  }
0x9e: {  	_ =	swait.ge [sflag:s22], s20  }
0x9f: {  	s4 =	ssub.s32 $0x0, s20;
	[sflag:s22] =	ssyncset.done $0x0  }
0xa0: {  	[sflag:s22] =	ssyncadd.s32 s4;
	_ =	sdelay $0x1  }
0xa1: {  	s23 =	simm.s32 $0x1B8B  }
0xa2: {  	_ =	swait.ge [sflag:s23], $0x1  }
0xa3: {  	[sflag:s23] =	ssyncset.done $0x0  }
0xa4: {  	s25 =	simm.s32 $0x1B8E;
	s24 =	sld [smem:$0x3FFE];
	[sflag:s23] =	ssyncadd.s32 $0xFFFFFFFF  }
0xa5: {  	s26 =	simm.s32 $execute0_lowered;
	[smem:$0x3FD2] =	sst s25  }
0xa6: {  	s5 =	sshll.u32 s26, $0x1;
	_ =	strace $0x80000049;
	[dreg:$0x1] =	wrdreg $0xFFFFFFFF  }
0xa7: {  	s28 =	simm.s32 $_size_execute0_lowered;
	s3 =	sadd.s32 s3, s5;
	[dreg:$0x0] =	wrdreg $0x0  }
0xa8: {  	s5 =	sshll.u32 s28, $0x1;
	[dreg:$0x2] =	wrdreg s3  }
0xa9: {  	[dreg:$0x3] =	wrdreg s5  }
0xaa: {  	[dreg:$0x4] =	wrdreg $0xC0  }
0xab: {  	_ =	task [dreg:s7], $0x5FFFF  }
0xac: {  	[dreg:$0x1] =	wrdreg $0xFFFFFFFF  }
0xad: {  	[dreg:$0x0] =	wrdreg $0x60  }
0xae: {  	[dreg:$0x2] =	wrdreg s2  }
0xaf: {  	[dreg:$0x3] =	wrdreg s24  }
0xb0: {  	[dreg:$0x4] =	wrdreg $0x9  }
0xb1: {  	_ =	task.clear_ibuf [dreg:s7], $0x5FFFF;
	_ =	strace $0x90000049  }
0xb2: {  	s29 =	simm.s32 $0x9;
	_ =	strace $0x8000004B  }
0xb3: {  	_ =	swait.ge [sflag:s29], $0x1  }
0xb4: {  	[sflag:s29] =	ssyncadd.s32 $0xFFFFFFFF  }
0xb5: {  	_ =	strace $0x9000004B  }
0xb6: {  	_ =	sfence  }
0xb7: {  	s30 =	sld [smem:$0x0];
	_ =	sdelay $0x2  }
0xb8: {  	s31 =	sshll.u32 s1, $0xD;
	s1 =	sshrl.u32 s1, $0x2  }
0xb9: {  	s3 =	sand.u32 $0x4000, s31;
	s1 =	sadd.s32 s1, s30  }
0xba: {  	s0 =	sor.u32 s3, s0;
	s1 =	sshll.u32 s1, $0x11  }
0xbb: {  	s0 =	sor.u32 s1, s0  }
0xbc: {  	s0 =	sadd.s32 $0x8F2B, s0  }
0xbd: {  	[sflag:s0] =	ssyncadd.remote.s32 $0x1  }
0xbe: {  	_ =	sfence.sel $0xFFFF  }
0xbf: {  	[dreg:$0x0] =	wrdreg $0xFFFFFFFF;
	(pc) =	sbr.abs _section_cstart, $3  }
0xc0: {  	[dreg:$0x1] =	wrdreg $0xFFFFFFFF  }
0xc1: {  	_ =	task.clear_ibuf [dreg:s7], $0x2FFFF;
	_ =	strace $0x9FFFFFFF  }
0xc2: {  	(tm) =	ssettm $0x7FFFFFFF  }
0xc3: {  	_ =	shalt  }
tec
execute0_lowered:
.L_overlay_start_1:
0x0: {  	(tag) =	ssettag $0x1  }
0x1: {  	s2 =	rddreg [dreg:$0x0];
	s1 =	srdreg.scid  }
0x2: {  	s0 =	stileid.u32;
	s4 =	rddreg [dreg:$0x1];
	s9 =	simm.s32 $0xEB00  }
0x3: {  	s10 =	simm.s32 $0x1;
	s11 =	simm.s32 $0x2;
	s12 =	simm.s32 $0x3  }
0x4: {  	s13 =	simm.s32 $0x11280;
	s14 =	simm.s32 $0x80;
	s15 =	simm.s32 $0x400  }
0x5: {  	s16 =	simm.s32 $0x4;
	s17 =	simm.s32 $0x0;
	s5 =	sand.u32 $0x1, s1  }
0x6: {  	s3 =	sshll.u32 s0, $0x1;
	s1 =	rddreg [dreg:$0x2];
	s7 =	sshrl.u32 s0, $0x2  }
0x7: {  	s6 =	sor.u32 s5, s3;
	s3 =	simm.s32 $0x0;
	s7 =	smul.u32 $0x61C00, s7  }
0x8: {  	s5 =	ssub.s32 $0x2, s5;
	s8 =	sshll.u32 s6, $0x7;
	s6 =	smul.u32 $0x2710, s6  }
0x9: {  	[smem:$0x7FF] =	sst s3;
	s30 =	sshrl.u32 s5, $0x1;
	s8 =	sand.u32 $0x380, s8  }
0xa: {  	_ =	strace $0x8000004A;
	s7 =	sor.u32 s7, s8;
	s6 =	sshrl.u32 s6, $0x3  }
0xb: {  	s31 =	ssub.s32 s5, s30;
	s7 =	sshrl.u32 s7, $0x3;
	s6 =	sadd.s32 s6, s4  }
0xc: {  	s8 =	simm.s32 $0xC380;
	s7 =	sadd.s32 s7, s4;
	s4 =	sadd.s32 $0x2C00, s6  }
0xd: {  	v0 =	vimm.f32 $0.0e+00;
	s5 =	sadd.s32 $0xC840, s6;
	s6 =	sadd.s32 $0x16600, s7;
	s7 =	smax.u32 s31, $0x1  }
.LBB2_1:
0xe: {  	[tilespmem:s3], [sflag:$0x1] =	stream.linear.gather [hbm4b:s2+s3], $0xC380, $0x38;
	[tilespmem:$0x1D600] =	vst v63  }
0xf: {  	_ = 	snop  }
0x10: {  	[tilespmem:s8], [sflag:$0x2] =	stream.linear.gather [hbm4b:s4+s3], $0x2710, $0x38;
	[tilespmem:$0x1D600] =	vst v63  }
0x11: {  	s18 =	simm.s32 $0x11340  }
0x12: {  	[tilespmem:s9], [sflag:$0x3] =	stream.linear.gather [hbm4b:s5+s3], $0x2710, $0x38;
	[tilespmem:$0x1D600] =	vst v63  }
0x13: {  	[tilespmem:s18+$0xFFFFFF40] =	vst v0  }
0x14: {  	[tilespmem:s18+$0xFFFFFFB0] =	vst v0  }
0x15: {  	[tilespmem:s18+$0xFFFFFFA0] =	vst v0  }
0x16: {  	[tilespmem:s18+$0xFFFFFF90] =	vst v0  }
0x17: {  	[tilespmem:s18+$0xFFFFFF80] =	vst v0  }
0x18: {  	[tilespmem:s18+$0xFFFFFF70] =	vst v0  }
0x19: {  	[tilespmem:s18+$0xFFFFFF60] =	vst v0  }
0x1a: {  	s19 =	sand.u32 $0xFFF0, s3;
	[tilespmem:s18+$0xFFFFFF50] =	vst v0  }
0x1b: {  	[tilespmem:s19+$0x11300] =	vst v0  }
0x1c: {  	[tilespmem:s18+$0x30] =	vst v0  }
0x1d: {  	[tilespmem:s18+$0x20] =	vst v0  }
0x1e: {  	s20 =	simm.s32 $0x0;
	s21 =	simm.s32 $0x0;
	s22 =	simm.s32 $0x11340;
	[tilespmem:s18+$0x10] =	vst v0  }
.LBB2_2:
0x1f: {  	s20 =	sadd.s32 $0x19, s20;
	[tilespmem:s18+$0x0] =	vst v0;
	s21 =	sadd.s32 $0x190, s21;
	s22 =	sadd.s32 $0x190, s22  }
0x20: {  	p0 =	slt.u32 s20, $0xC1C;
	[tilespmem:s18+$0xFFFFFFF0] =	vst v0  }
0x21: {  	[tilespmem:s18+$0xFFFFFFD0] =	vst v0  }
0x22: {  	[tilespmem:s18+$0xFFFFFFE0] =	vst v0  }
0x23: {  	[tilespmem:s19+$0x11380] =	vst v0  }
0x24: {  	[tilespmem:s18+$0x50] =	vst v0  }
0x25: {  	[tilespmem:s18+$0xB0] =	vst v0  }
0x26: {  	[tilespmem:s18+$0xA0] =	vst v0  }
0x27: {  	[tilespmem:s18+$0x90] =	vst v0  }
0x28: {  	[tilespmem:s18+$0x80] =	vst v0  }
0x29: {  	[tilespmem:s18+$0x60] =	vst v0  }
0x2a: {  	[tilespmem:s18+$0x70] =	vst v0;
	s18 =	smov.u32 s22  }
0x2b: {  	[tilespmem:s19+$0x11400] =	vst v0  }
0x2c: {  	[tilespmem:s22+$0xFFFFFF40] =	vst v0  }
0x2d: {  	[tilespmem:s22+$0xFFFFFFB0] =	vst v0  }
0x2e: {  	[tilespmem:s22+$0xFFFFFFA0] =	vst v0  }
0x2f: {  	[tilespmem:s22+$0xFFFFFF90] =	vst v0  }
0x30: {  	[tilespmem:s22+$0xFFFFFF80] =	vst v0  }
0x31: {  	[tilespmem:s22+$0xFFFFFF70] =	vst v0  }
0x32: {  	[tilespmem:s22+$0xFFFFFF60] =	vst v0  }
.Ltmp0:
0x33: {  	s19 =	sand.u32 $0xFFF0, s21;
	[tilespmem:s22+$0xFFFFFF50] =	vst v0;
	(pc) =	sbr.rel @p0 .LBB2_2-.Ltmp0, $4  }
0x34: {  	[tilespmem:s19+$0x11300] =	vst v0  }
0x35: {  	[tilespmem:s22+$0x30] =	vst v0  }
0x36: {  	[tilespmem:s22+$0x20] =	vst v0  }
0x37: {  	[tilespmem:s22+$0x10] =	vst v0  }
0x38: {  	[tilespmem:s18+$0x0] =	vst v0  }
0x39: {  	[tilespmem:s18+$0xFFFFFFF0] =	vst v0  }
0x3a: {  	[tilespmem:s18+$0xFFFFFFD0] =	vst v0  }
0x3b: {  	[tilespmem:s18+$0xFFFFFFE0] =	vst v0  }
0x3c: {  	[tilespmem:s19+$0x11380] =	vst v0  }
0x3d: {  	[tilespmem:s18+$0x50] =	vst v0  }
0x3e: {  	[tilespmem:s18+$0xB0] =	vst v0  }
0x3f: {  	[tilespmem:s18+$0xA0] =	vst v0  }
0x40: {  	[tilespmem:s18+$0x90] =	vst v0  }
0x41: {  	[tilespmem:s18+$0x80] =	vst v0  }
0x42: {  	[tilespmem:s18+$0x60] =	vst v0  }
0x43: {  	[tilespmem:s18+$0x70] =	vst v0  }
0x44: {  	[tilespmem:s19+$0x11400] =	vst v0  }
0x45: {  	_ =	swait.ge [sflag:s10], $0xC380  }
0x46: {  	[sflag:s10] =	ssyncset.done $0x0  }
0x47: {  	[sflag:s10] =	ssyncadd.s32 $0xFFFF3C80  }
0x48: {  	_ =	swait.ge [sflag:s11], $0x2710  }
0x49: {  	[sflag:s11] =	ssyncset.done $0x0  }
0x4a: {  	[sflag:s11] =	ssyncadd.s32 $0xFFFFD8F0  }
0x4b: {  	_ =	swait.ge [sflag:s12], $0x2710  }
0x4c: {  	[sflag:s12] =	ssyncset.done $0x0  }
0x4d: {  	s31 =	simm.s32 $0xC3A0;
	[sflag:s12] =	ssyncadd.s32 $0xFFFFD8F0  }
0x4e: {  	v1 =	vld [tilespmem:s31+$0x10]  }
0x4f: {  	v3 =	vld [tilespmem:s31+$0xFFFFFFE0]  }
0x50: {  	v2 =	vld [tilespmem:s31+$0xFFFFFFF0]  }
0x51: {  	s18 =	simm.s32 $0xEB20;
	v7 =	vld [tilespmem:s31+$0x0]  }
0x52: {  	v4 =	vld [tilespmem:s18+$0x10]  }
0x53: {  	v8 =	vld [tilespmem:s18+$0xFFFFFFE0]  }
0x54: {  	v10 =	vld [tilespmem:s18+$0xFFFFFFF0]  }
0x55: {  	v13 =	vld [tilespmem:s18+$0x0]  }
0x56: {  	v5 =	vld.idx.msk [tilespmem:v1+s3+$0x0], $0xffff  }
0x57: {  	v11 =	vld.idx.msk [tilespmem:v3+s3+$0x0], $0xffff  }
0x58: {  	v6 =	vld.idx.msk [tilespmem:v2+s3+$0x0], $0xffff  }
0x59: {  	v14 =	vld.idx.msk [tilespmem:v7+s3+$0x0], $0xffff  }
0x5a: {  	v9 =	vadd.s32 $0x2710, v1  }
0x5b: {  	v12 =	vadd.s32 $0x2710, v3;
	[tilespmem:v4+s13+$0x0] =	vst.idx.add.f32.msk $0xffff, v5  }
0x5c: {  	v16 =	vadd.s32 $0x2710, v7;
	[tilespmem:v8+s13+$0x0] =	vst.idx.add.f32.msk $0xffff, v11  }
0x5d: {  	[tilespmem:v10+s13+$0x0] =	vst.idx.add.f32.msk $0xffff, v6  }
0x5e: {  	v49 =	vadd.s32 $0x2710, v2;
	[tilespmem:v13+s13+$0x0] =	vst.idx.add.f32.msk $0xffff, v14  }
0x5f: {  	v48 =	vadd.s32 $0x2710, v4;
	v5 =	vld.idx.msk [tilespmem:v9+s3+$0x0], $0xffff  }
0x60: {  	v6 =	vadd.s32 $0x2710, v8;
	v12 =	vld.idx.msk [tilespmem:v12+s3+$0x0], $0xffff  }
0x61: {  	v18 =	vadd.s32 $0x2710, v13;
	v16 =	vld.idx.msk [tilespmem:v16+s3+$0x0], $0xffff  }
0x62: {  	v15 =	vadd.s32 $0x4E20, v1  }
0x63: {  	v52 =	vadd.s32 $0x4E20, v7;
	v11 =	vld.idx.msk [tilespmem:v49+s3+$0x0], $0xffff  }
0x64: {  	v17 =	vadd.s32 $0x2710, v10;
	[tilespmem:v48+s13+$0x0] =	vst.idx.add.f32.msk $0xffff, v5  }
0x65: {  	v5 =	vadd.s32 $0x4E20, v3;
	[tilespmem:v6+s13+$0x0] =	vst.idx.add.f32.msk $0xffff, v12  }
0x66: {  	v6 =	vadd.s32 $0x4E20, v2;
	[tilespmem:v18+s13+$0x0] =	vst.idx.add.f32.msk $0xffff, v16  }
0x67: {  	v50 =	vadd.s32 $0x4E20, v4;
	v9 =	vld.idx.msk [tilespmem:v15+s3+$0x0], $0xffff  }
0x68: {  	v57 =	vadd.s32 $0x4E20, v13;
	v12 =	vld.idx.msk [tilespmem:v52+s3+$0x0], $0xffff  }
0x69: {  	v51 =	vadd.s32 $0x7530, v1;
	[tilespmem:v17+s13+$0x0] =	vst.idx.add.f32.msk $0xffff, v11  }
0x6a: {  	v58 =	vadd.s32 $0x7530, v7;
	v5 =	vld.idx.msk [tilespmem:v5+s3+$0x0], $0xffff  }
0x6b: {  	v53 =	vadd.s32 $0x4E20, v8;
	v6 =	vld.idx.msk [tilespmem:v6+s3+$0x0], $0xffff  }
0x6c: {  	v56 =	vadd.s32 $0x4E20, v10;
	[tilespmem:v50+s13+$0x0] =	vst.idx.add.f32.msk $0xffff, v9  }
0x6d: {  	v55 =	vadd.s32 $0x7530, v3;
	[tilespmem:v57+s13+$0x0] =	vst.idx.add.f32.msk $0xffff, v12  }
0x6e: {  	v54 =	vadd.s32 $0x7530, v4;
	v14 =	vld.idx.msk [tilespmem:v51+s3+$0x0], $0xffff  }
0x6f: {  	v1 =	vadd.s32 $0x9C40, v1;
	v9 =	vld.idx.msk [tilespmem:v58+s3+$0x0], $0xffff  }
0x70: {  	[tilespmem:v53+s13+$0x0] =	vst.idx.add.f32.msk $0xffff, v5;
	v5 =	vadd.s32 $0x7530, v2  }
0x71: {  	v63 =	vadd.s32 $0x7530, v13;
	[tilespmem:v56+s13+$0x0] =	vst.idx.add.f32.msk $0xffff, v6  }
0x72: {  	v60 =	vadd.s32 $0x7530, v8;
	v59 =	vld.idx.msk [tilespmem:v55+s3+$0x0], $0xffff  }
0x73: {  	v3 =	vadd.s32 $0x9C40, v3;
	[tilespmem:v54+s13+$0x0] =	vst.idx.add.f32.msk $0xffff, v14  }
0x74: {  	v4 =	vadd.s32 $0x9C40, v4;
	v1 =	vld.idx.msk [tilespmem:v1+s3+$0x0], $0xffff  }
0x75: {  	v61 =	vadd.s32 $0x7530, v10;
	v62 =	vld.idx.msk [tilespmem:v5+s3+$0x0], $0xffff  }
0x76: {  	[tilespmem:v63+s13+$0x0] =	vst.idx.add.f32.msk $0xffff, v9  }
0x77: {  	[tilespmem:v60+s13+$0x0] =	vst.idx.add.f32.msk $0xffff, v59  }
0x78: {  	v6 =	vld.idx.msk [tilespmem:v3+s3+$0x0], $0xffff  }
0x79: {  	v5 =	vadd.s32 $0x9C40, v2;
	v2 =	vadd.s32 $0x9C40, v13;
	[tilespmem:v4+s13+$0x0] =	vst.idx.add.f32.msk $0xffff, v1  }
0x7a: {  	s20 =	simm.s32 $0xC3E0;
	s19 =	simm.s32 $0x0;
	v3 =	vadd.s32 $0x9C40, v10;
	v4 =	vadd.s32 $0x9C40, v7;
	v1 =	vadd.s32 $0x9C40, v8;
	[tilespmem:v61+s13+$0x0] =	vst.idx.add.f32.msk $0xffff, v62  }
.LBB2_4:
0x7b: {  	v7 =	vld [tilespmem:s20+$0x10];
	s19 =	sadd.s32 $0x4, s19  }
0x7c: {  	v8 =	vld [tilespmem:s20+$0xFFFFFFF0];
	p0 =	slt.u32 s19, $0x26C  }
0x7d: {  	v9 =	vld [tilespmem:s20+$0x0]  }
0x7e: {  	v10 =	vld [tilespmem:s20+$0xFFFFFFE0]  }
0x7f: {  	v11 =	vld.idx.msk [tilespmem:v5+s3+$0x0], $0xffff  }
0x80: {  	s18 =	sadd.s32 $0x40, s18;
	v12 =	vld.idx.msk [tilespmem:v4+s3+$0x0], $0xffff  }
0x81: {  	v13 =	vadd.s32 $0x2710, v8;
	v14 =	vadd.s32 $0x4E20, v8;
	v15 =	vadd.s32 $0x7530, v8;
	v16 =	vld [tilespmem:s18+$0x10]  }
0x82: {  	v17 =	vld [tilespmem:s18+$0xFFFFFFE0];
	v18 =	vadd.s32 $0x2710, v9;
	v19 =	vadd.s32 $0x4E20, v9;
	v20 =	vadd.s32 $0x7530, v9  }
0x83: {  	v21 =	vadd.s32 $0x2710, v10;
	v22 =	vadd.s32 $0x4E20, v10;
	v23 =	vadd.s32 $0x7530, v10;
	v24 =	vld.idx.msk [tilespmem:v7+s3+$0x0], $0xffff  }
0x84: {  	v5 =	vadd.s32 $0x9C40, v8;
	v4 =	vadd.s32 $0x9C40, v9;
	v25 =	vadd.s32 $0x9C40, v10;
	v26 =	vld.idx.msk [tilespmem:v8+s3+$0x0], $0xffff  }
0x85: {  	v8 =	vld.idx.msk [tilespmem:v9+s3+$0x0], $0xffff;
	v9 =	vadd.s32 $0x2710, v7  }
0x86: {  	v10 =	vld.idx.msk [tilespmem:v10+s3+$0x0], $0xffff  }
0x87: {  	v27 =	vadd.s32 $0x2710, v17;
	v28 =	vadd.s32 $0x4E20, v17;
	v29 =	vadd.s32 $0x7530, v17;
	v30 =	vld [tilespmem:s18+$0xFFFFFFF0]  }
0x88: {  	v31 =	vadd.s32 $0x9C40, v17;
	v32 =	vld [tilespmem:s18+$0x0]  }
0x89: {  	[tilespmem:v16+s13+$0x0] =	vst.idx.add.f32.msk $0xffff, v24  }
0x8a: {  	v9 =	vld.idx.msk [tilespmem:v9+s3+$0x0], $0xffff  }
0x8b: {  	v24 =	vadd.s32 $0x2710, v16;
	[tilespmem:v1+s13+$0x0] =	vst.idx.add.f32.msk $0xffff, v6;
	v1 =	vmov v31  }
0x8c: {  	[tilespmem:v17+s13+$0x0] =	vst.idx.add.f32.msk $0xffff, v10;
	v6 =	vadd.s32 $0x2710, v30;
	v10 =	vadd.s32 $0x4E20, v30;
	v17 =	vadd.s32 $0x4E20, v7  }
0x8d: {  	v31 =	vadd.s32 $0x7530, v30;
	v21 =	vld.idx.msk [tilespmem:v21+s3+$0x0], $0xffff;
	v33 =	vadd.s32 $0x2710, v32;
	v34 =	vadd.s32 $0x4E20, v32  }
0x8e: {  	v35 =	vadd.s32 $0x7530, v32;
	v36 =	vadd.s32 $0x9C40, v32;
	[tilespmem:v3+s13+$0x0] =	vst.idx.add.f32.msk $0xffff, v11;
	v3 =	vadd.s32 $0x9C40, v30  }
0x8f: {  	[tilespmem:v30+s13+$0x0] =	vst.idx.add.f32.msk $0xffff, v26  }
0x90: {  	[tilespmem:v24+s13+$0x0] =	vst.idx.add.f32.msk $0xffff, v9  }
0x91: {  	v9 =	vld.idx.msk [tilespmem:v17+s3+$0x0], $0xffff  }
0x92: {  	[tilespmem:v32+s13+$0x0] =	vst.idx.add.f32.msk $0xffff, v8;
	v8 =	vadd.s32 $0x4E20, v16  }
0x93: {  	v11 =	vld.idx.msk [tilespmem:v13+s3+$0x0], $0xffff;
	v13 =	vadd.s32 $0x7530, v7  }
0x94: {  	v17 =	vld.idx.msk [tilespmem:v18+s3+$0x0], $0xffff  }
0x95: {  	[tilespmem:v27+s13+$0x0] =	vst.idx.add.f32.msk $0xffff, v21  }
0x96: {  	v18 =	vld.idx.msk [tilespmem:v22+s3+$0x0], $0xffff  }
0x97: {  	[tilespmem:v8+s13+$0x0] =	vst.idx.add.f32.msk $0xffff, v9  }
0x98: {  	v8 =	vld.idx.msk [tilespmem:v13+s3+$0x0], $0xffff  }
0x99: {  	[tilespmem:v6+s13+$0x0] =	vst.idx.add.f32.msk $0xffff, v11;
	v6 =	vadd.s32 $0x7530, v16  }
0x9a: {  	v7 =	vadd.s32 $0x9C40, v7;
	[tilespmem:v33+s13+$0x0] =	vst.idx.add.f32.msk $0xffff, v17  }
0x9b: {  	v9 =	vld.idx.msk [tilespmem:v14+s3+$0x0], $0xffff  }
0x9c: {  	v11 =	vld.idx.msk [tilespmem:v19+s3+$0x0], $0xffff  }
0x9d: {  	[tilespmem:v28+s13+$0x0] =	vst.idx.add.f32.msk $0xffff, v18  }
0x9e: {  	[tilespmem:v6+s13+$0x0] =	vst.idx.add.f32.msk $0xffff, v8  }
0x9f: {  	v6 =	vld.idx.msk [tilespmem:v7+s3+$0x0], $0xffff  }
0xa0: {  	v8 =	vadd.s32 $0x9C40, v16;
	v7 =	vld.idx.msk [tilespmem:v23+s3+$0x0], $0xffff  }
0xa1: {  	[tilespmem:v10+s13+$0x0] =	vst.idx.add.f32.msk $0xffff, v9  }
0xa2: {  	[tilespmem:v34+s13+$0x0] =	vst.idx.add.f32.msk $0xffff, v11  }
0xa3: {  	v9 =	vld.idx.msk [tilespmem:v15+s3+$0x0], $0xffff  }
0xa4: {  	v10 =	vld.idx.msk [tilespmem:v20+s3+$0x0], $0xffff  }
0xa5: {  	[tilespmem:v8+s13+$0x0] =	vst.idx.add.f32.msk $0xffff, v6  }
.Ltmp1:
0xa6: {  	[tilespmem:v29+s13+$0x0] =	vst.idx.add.f32.msk $0xffff, v7;
	(pc) =	sbr.rel @p0 .LBB2_4-.Ltmp1, $4  }
0xa7: {  	v6 =	vld.idx.msk [tilespmem:v25+s3+$0x0], $0xffff  }
0xa8: {  	[tilespmem:v2+s13+$0x0] =	vst.idx.add.f32.msk $0xffff, v12;
	v2 =	vmov v36  }
0xa9: {  	[tilespmem:v31+s13+$0x0] =	vst.idx.add.f32.msk $0xffff, v9  }
0xaa: {  	s20 =	sadd.s32 $0x40, s20;
	[tilespmem:v35+s13+$0x0] =	vst.idx.add.f32.msk $0xffff, v10  }
0xab: {  	_ =	sdelay $0x3  }
0xac: {  	v5 =	vld.idx.msk [tilespmem:v5+s3+$0x0], $0xffff  }
0xad: {  	v4 =	vld.idx.msk [tilespmem:v4+s3+$0x0], $0xffff;
	_ =	sdelay $0x2  }
0xae: {  	[tilespmem:v1+s13+$0x0] =	vst.idx.add.f32.msk $0xffff, v6  }
0xaf: {  	[tilespmem:v3+s13+$0x0] =	vst.idx.add.f32.msk $0xffff, v5  }
0xb0: {  	[tilespmem:v2+s13+$0x0] =	vst.idx.add.f32.msk $0xffff, v4  }
0xb1: {  	v1 =	vld [tilespmem:$0xEA80];
	_ =	sdelay $0x4  }
0xb2: {  	v2 =	vld [tilespmem:$0x11200];
	_ =	sdelay $0x2  }
0xb3: {  	v3 =	vld.idx.msk [tilespmem:v1+s3+$0x0], $0xffff  }
0xb4: {  	v58 =	vadd.s32 $0x2710, v1;
	_ =	sdelay $0x3  }
0xb5: {  	[tilespmem:v2+s13+$0x0] =	vst.idx.add.f32.msk $0xffff, v3  }
0xb6: {  	v59 =	vadd.s32 $0x2710, v2;
	v3 =	vld.idx.msk [tilespmem:v58+s3+$0x0], $0xffff  }
0xb7: {  	v60 =	vadd.s32 $0x4E20, v1;
	_ =	sdelay $0x3  }
0xb8: {  	[tilespmem:v59+s13+$0x0] =	vst.idx.add.f32.msk $0xffff, v3  }
0xb9: {  	v61 =	vadd.s32 $0x4E20, v2;
	v3 =	vld.idx.msk [tilespmem:v60+s3+$0x0], $0xffff  }
0xba: {  	v62 =	vadd.s32 $0x7530, v1;
	_ =	sdelay $0x3  }
0xbb: {  	[tilespmem:v61+s13+$0x0] =	vst.idx.add.f32.msk $0xffff, v3  }
0xbc: {  	v63 =	vadd.s32 $0x7530, v2;
	v3 =	vld.idx.msk [tilespmem:v62+s3+$0x0], $0xffff  }
0xbd: {  	v1 =	vadd.s32 $0x9C40, v1;
	_ =	sdelay $0x3  }
0xbe: {  	[tilespmem:v63+s13+$0x0] =	vst.idx.add.f32.msk $0xffff, v3  }
0xbf: {  	v2 =	vadd.s32 $0x9C40, v2;
	v1 =	vld.idx.msk [tilespmem:v1+s3+$0x0], $0xffff;
	_ =	sdelay $0x2  }
0xc0: {  	s17 =	sadd.s32 $0x1, s17  }
0xc1: {  	p0 =	sne.s32 s17, s7  }
.Ltmp2:
0xc2: {  	[tilespmem:v2+s13+$0x0] =	vst.idx.add.f32.msk $0xffff, v1;
	(pc) =	sbr.rel @p0 .LBB2_1-.Ltmp2, $4  }
0xc3: {  	[hbm4b:s6+s14] =	stream.strided.scatter [tilespmem:s13], [sflag:$0x4], $0xC380, s15, s14, $0x38;
	[tilespmem:$0x1D600] =	vst v63  }
0xc4: {  	_ =	swait.ge [sflag:s16], $0xC380  }
0xc5: {  	[sflag:s16] =	ssyncset.done $0x0  }
0xc6: {  	[sflag:s16] =	ssyncadd.s32 $0xFFFF3C80  }
0xc7: {  	_ =	sfence.sel $0x180000  }
0xc8: {  	[bflag:$0x0] =	sbarrier.arrive $0xFFFF  }
0xc9: {  	p0 =	sne.s32 s0, $0x0;
	_ =	strace $0x9000004A  }
0xca: {  	s0 =	sadd.s32 @!p0 $0x100000, s1;
	[bflag:$0x2] =	sbarrier.arrive $0xFFFF  }
0xcb: {  	[sflag:s0] =	ssyncadd.tile.s32 @!p0 $0x1;
	_ =	shalt  }
.Lfunc_end2:
_tile_overlayer_lowered:
.L_overlay_start_2:
0xcc: {  	(tag) =	ssettag $0x2  }
0xcd: {  	s0 =	rddreg [dreg:$0x0];
	s2 =	stileid.u32  }
0xce: {  	s1 =	rddreg [dreg:$0x1];
	p0 =	sne.s32 s2, $0x0  }
0xcf: {  	s3 =	rddreg [dreg:$0x2];
	[bflag:$0x3] =	sbarrier.arrive $0xFFFF;
	s2 =	simm.s32 @!p0 $0x1C04  }
0xd0: {  	[timem:s3], [sflag:s2] =	dma.local @!p0 [hbm:s0], s1  }
0xd1: {  	s0 =	simm.s32 @!p0 $0x4  }
0xd2: {  	_ =	swait.ge @!p0 [sflag:s0], s1  }
0xd3: {  	s1 =	ssub.s32 @!p0 $0x0, s1;
	[sflag:s0] =	ssyncset.done @!p0 $0x0  }
0xd4: {  	[sflag:s0] =	ssyncadd.s32 @!p0 s1  }
0xd5: {  	[bflag:$0x3] =	sbarrier.arrive $0xFFFF  }
0xd6: {  	_ =	shalt  }

// kernel: kernel.15.cloned.1.call-start
scs
__scs_entry_jumppad:
0x0: {  	(pc) =	sbr.rel $0x88, $3  }
0x1: {  	(tag) =	ssettag $0x0;
	lr =	simm.s32 $0x1  }
0x2: {  	[smem:$0x3F9B] =	sst lr;
	_ =	strace $0xD0000000  }
0x3: {  	_ = 	snop  }
0x4: {  	_ = 	snop  }
0x5: {  	_ = 	snop  }
0x6: {  	_ = 	snop  }
0x7: {  	_ = 	snop  }
__scs_overlays_trampoline_lowered:
0x8: {  	[smem:$0x3FAA] =	sst s0  }
0x9: {  	[smem:$0x3FAB] =	sst s1  }
0xa: {  	[smem:$0x3FAC] =	sst s2  }
0xb: {  	[smem:$0x3FAD] =	sst s3  }
0xc: {  	[smem:$0x3FAE] =	sst s4  }
0xd: {  	[smem:$0x3FAF] =	sst s5  }
0xe: {  	[smem:$0x3FB0] =	sst s6  }
0xf: {  	[smem:$0x3FB1] =	sst s7  }
0x10: {  	[smem:$0x3FB2] =	sst s8  }
0x11: {  	[smem:$0x3FB3] =	sst s9;
	s0 =	simm.s32 @!p0 $0x0  }
0x12: {  	s1 =	sld [smem:$0x3F99];
	s0 =	simm.s32 @p0 $0x1  }
0x13: {  	[smem:$0x3FB4] =	sst s0;
	s0 =	simm.s32 @!p1 $0x0  }
0x14: {  	s2 =	sld [smem:$0x3F98];
	s0 =	simm.s32 @p1 $0x1  }
0x15: {  	[smem:$0x3FB5] =	sst s0;
	s0 =	simm.s32 @!p2 $0x0  }
0x16: {  	s3 =	sld [smem:$0x3FDB];
	s0 =	simm.s32 @p2 $0x1  }
0x17: {  	s4 =	simm.s32 $0x1BF5;
	[smem:$0x3FB7] =	sst s0  }
0x18: {  	s0 =	sld [smem:$0x3F9A];
	_ =	swait.ge [sflag:s4], $0x0  }
0x19: {  	s7 =	sld [smem:$0x3F9B]  }
0x1a: {  	s8 =	sadd.s32 $0xFFFFE003, lr  }
0x1b: {  	s9 =	sadd.s32 $0xFFFFFEF7, lr;
	s5 =	simm.s32 $0xFFFFFFFF;
	p2 =	slt.u32 s8, $0xFFFFF086  }
0x1c: {  	p1 =	slt.u32 s9, $0xF7A;
	s5 =	simm.s32 @!p2 $0x0  }
0x1d: {  	s5 =	simm.s32 @p1 $0x1;
	p0 =	seq.s32 s7, s2  }
0x1e: {  	s7 =	smul.u32 @!p0 $0xF7A, s2;
	p2 =	seq.s32 @!p0 s5, $0x0  }
0x1f: {  	s9 =	smul.u32 $0xF7A, s1;
	s8 =	simm.s32 @!p0 $0x1BF5;
	p2 =	por !p2, p0  }
0x20: {  	[sflag:s8] =	ssyncset.s32 @!p0 $0xFFFFF086;
	s6 =	sadd.s32 @!p0 s3, s7;
	s7 =	simm.s32 @!p0 $0x108  }
0x21: {  	s3 =	sadd.s32 s3, s9;
	s6 =	sadd.s32 @!p0 $0x88, s6;
	s7 =	simm.s32 @p2 $0x1082  }
0x22: {  	[simem:s7], [sflag:s8] =	dma.local @!p0 [hbm:s6], $0xF7A  }
0x23: {  	s9 =	sor.u32 $0xD0000000, s2;
	s6 =	simm.s32 $0x108;
	_ =	swait.ge @!p0 [sflag:s8], $0x0  }
0x24: {  	s3 =	sadd.s32 $0x88, s3;
	s6 =	simm.s32 @!p1 $0x1082;
	[sflag:s4] =	ssyncset.s32 $0xFFFFF086  }
0x25: {  	[simem:s6], [sflag:s4] =	dma.local [hbm:s3], $0xF7A  }
0x26: {  	[smem:$0x3F9B] =	sst s1;
	(tag) =	ssettag s2;
	_ =	strace s9  }
0x27: {  	s1 =	sld [smem:$0x3FAB]  }
0x28: {  	s2 =	sld [smem:$0x3FAC]  }
0x29: {  	s4 =	sld [smem:$0x3FAE]  }
0x2a: {  	p0 =	seq.s32 s5, $0x0;
	s5 =	sld [smem:$0x3FAF]  }
0x2b: {  	s6 =	sld [smem:$0x3FB0]  }
0x2c: {  	s7 =	sld [smem:$0x3FB1]  }
0x2d: {  	s3 =	simm.s32 $0x108;
	s8 =	sld [smem:$0x3FB2]  }
0x2e: {  	s3 =	simm.s32 @!p0 $0x1082;
	s9 =	sld [smem:$0x3FB3]  }
0x2f: {  	lr =	sadd.s32 s0, s3;
	s0 =	sld [smem:$0x3FAA]  }
0x30: {  	s3 =	sld [smem:$0x3FAD]  }
0x31: {  	[smem:$0x3FB6] =	sst s10  }
0x32: {  	s10 =	sld [smem:$0x3FB4];
	_ =	sdelay $0x3  }
0x33: {  	p0 =	seq.s32 s10, $0x1;
	s10 =	sld [smem:$0x3FB6];
	_ =	sdelay $0x3  }
0x34: {  	[smem:$0x3FB6] =	sst s10  }
0x35: {  	s10 =	sld [smem:$0x3FB5];
	_ =	sdelay $0x3  }
0x36: {  	p1 =	seq.s32 s10, $0x1;
	s10 =	sld [smem:$0x3FB6];
	_ =	sdelay $0x3  }
0x37: {  	[smem:$0x3FB6] =	sst s10  }
0x38: {  	s10 =	sld [smem:$0x3FB7]  }
0x39: {  	_ = 	snop;
	(pc) =	sbr.ind lr, $3  }
0x3a: {  	_ = 	snop  }
0x3b: {  	_ = 	snop  }
0x3c: {  	p2 =	seq.s32 s10, $0x1;
	s10 =	sld [smem:$0x3FB6]  }
0x3d: {  	_ =	shalt  }
0x3e: {  	_ =	shalt  }
0x3f: {  	_ =	shalt  }
0x40: {  	_ =	shalt  }
0x41: {  	_ =	shalt  }
0x42: {  	_ =	shalt  }
0x43: {  	_ =	shalt  }
0x44: {  	_ =	shalt  }
0x45: {  	_ =	shalt  }
0x46: {  	_ =	shalt  }
0x47: {  	_ =	shalt  }
0x48: {  	_ =	shalt  }
0x49: {  	_ =	shalt  }
0x4a: {  	_ =	shalt  }
0x4b: {  	_ =	shalt  }
0x4c: {  	_ =	shalt  }
0x4d: {  	_ =	shalt  }
0x4e: {  	_ =	shalt  }
0x4f: {  	_ =	shalt  }
0x50: {  	_ =	shalt  }
0x51: {  	_ =	shalt  }
0x52: {  	_ =	shalt  }
0x53: {  	_ =	shalt  }
0x54: {  	_ =	shalt  }
0x55: {  	_ =	shalt  }
0x56: {  	_ =	shalt  }
0x57: {  	_ =	shalt  }
0x58: {  	_ =	shalt  }
0x59: {  	_ =	shalt  }
0x5a: {  	_ =	shalt  }
0x5b: {  	_ =	shalt  }
0x5c: {  	_ =	shalt  }
0x5d: {  	_ =	shalt  }
0x5e: {  	_ =	shalt  }
0x5f: {  	_ =	shalt  }
0x60: {  	_ =	shalt  }
0x61: {  	_ =	shalt  }
0x62: {  	_ =	shalt  }
0x63: {  	_ =	shalt  }
0x64: {  	_ =	shalt  }
0x65: {  	_ =	shalt  }
0x66: {  	_ =	shalt  }
0x67: {  	_ =	shalt  }
0x68: {  	_ =	shalt  }
0x69: {  	_ =	shalt  }
0x6a: {  	_ =	shalt  }
0x6b: {  	_ =	shalt  }
0x6c: {  	_ =	shalt  }
0x6d: {  	_ =	shalt  }
0x6e: {  	_ =	shalt  }
0x6f: {  	_ =	shalt  }
0x70: {  	_ =	shalt  }
0x71: {  	_ =	shalt  }
0x72: {  	_ =	shalt  }
0x73: {  	_ =	shalt  }
0x74: {  	_ =	shalt  }
0x75: {  	_ =	shalt  }
0x76: {  	_ =	shalt  }
0x77: {  	_ =	shalt  }
0x78: {  	_ =	shalt  }
0x79: {  	_ =	shalt  }
0x7a: {  	_ =	shalt  }
0x7b: {  	_ =	shalt  }
0x7c: {  	_ =	shalt  }
0x7d: {  	_ =	shalt  }
0x7e: {  	_ =	shalt  }
0x7f: {  	_ =	shalt  }
0x80: {  	_ =	shalt  }
0x81: {  	_ =	shalt  }
0x82: {  	_ =	shalt  }
0x83: {  	_ =	shalt  }
0x84: {  	_ =	shalt  }
0x85: {  	_ =	shalt  }
0x86: {  	_ =	shalt  }
0x87: {  	_ =	shalt  }
.Lfunc_end0:
.L_simem_size_0:
called_computation.2_lowered:
.L_overlay_start_0:
0x88: {  	s2 =	sld [smem:$0x3FD9]  }
0x89: {  	s3 =	sld [smem:$0x3FFE];
	_ =	sdelay $0x1  }
0x8a: {  	s1 =	srdreg.scid  }
0x8b: {  	s0 =	sand.u32 $0x1, s1  }
0x8c: {  	s17 =	sshll.u32 s0, $0xA;
	s2 =	sadd.s32 s3, s2  }
0x8d: {  	s2 =	sadd.s32 s2, s17  }
0x8e: {  	[smem:$0x3FC2] =	sst s2  }
0x8f: {  	_ = 	snop  }
0x90: {  	s2 =	sld [smem:$0x3FD0];
	(tm) =	ssettm $0x1  }
0x91: {  	s18 =	sld [smem:$0x3FFB];
	_ =	sdelay $0x3  }
0x92: {  	_ =	strace s18  }
0x93: {  	s3 =	sld [smem:$0x3FFC];
	_ =	sdelay $0x3  }
0x94: {  	_ =	strace s3  }
0x95: {  	s3 =	sld [smem:$0x3FFD];
	_ =	sdelay $0x3  }
0x96: {  	_ =	strace s3  }
0x97: {  	_ =	strace $0x8FFFFFFF  }
0x98: {  	s19 =	sld [smem:$0x3FDB];
	_ =	sdelay $0x1  }
0x99: {  	s4 =	simm.s32 $_scs_section_size  }
0x9a: {  	s5 =	simm.s32 $_size__tile_overlayer_lowered;
	s6 =	simm.s32 $_tile_overlayer_lowered  }
0x9b: {  	s22 =	simm.s32 $0x1BFF;
	s21 =	sshll.u32 s6, $0x1;
	s3 =	sadd.s32 s4, s19  }
0x9c: {  	s7 =	simm.s32 $0x0;
	s20 =	sshll.u32 s5, $0x1;
	s5 =	sadd.s32 s21, s3  }
0x9d: {  	[timem:s7], [sflag:s22] =	dma.local [hbm:s5], s20  }
0x9e: {  	_ =	swait.ge [sflag:s22], s20  }
0x9f: {  	s4 =	ssub.s32 $0x0, s20;
	[sflag:s22] =	ssyncset.done $0x0  }
0xa0: {  	[sflag:s22] =	ssyncadd.s32 s4;
	_ =	sdelay $0x1  }
0xa1: {  	s23 =	simm.s32 $0x1B8B  }
0xa2: {  	_ =	swait.ge [sflag:s23], $0x1  }
0xa3: {  	[sflag:s23] =	ssyncset.done $0x0  }
0xa4: {  	s25 =	simm.s32 $0x1B8E;
	s24 =	sld [smem:$0x3FFE];
	[sflag:s23] =	ssyncadd.s32 $0xFFFFFFFF  }
0xa5: {  	s26 =	simm.s32 $execute0_lowered;
	[smem:$0x3FD2] =	sst s25  }
0xa6: {  	s5 =	sshll.u32 s26, $0x1;
	_ =	strace $0x8000004C;
	[dreg:$0x1] =	wrdreg $0xFFFFFFFF  }
0xa7: {  	s28 =	simm.s32 $_size_execute0_lowered;
	s3 =	sadd.s32 s3, s5;
	[dreg:$0x0] =	wrdreg $0x0  }
0xa8: {  	s5 =	sshll.u32 s28, $0x1;
	[dreg:$0x2] =	wrdreg s3  }
0xa9: {  	[dreg:$0x3] =	wrdreg s5  }
0xaa: {  	[dreg:$0x4] =	wrdreg $0xC0  }
0xab: {  	_ =	task [dreg:s7], $0x5FFFF  }
0xac: {  	[dreg:$0x1] =	wrdreg $0xFFFFFFFF  }
0xad: {  	[dreg:$0x0] =	wrdreg $0x60  }
0xae: {  	[dreg:$0x2] =	wrdreg s2  }
0xaf: {  	[dreg:$0x3] =	wrdreg s24  }
0xb0: {  	[dreg:$0x4] =	wrdreg $0x9  }
0xb1: {  	_ =	task.clear_ibuf [dreg:s7], $0x5FFFF;
	_ =	strace $0x9000004C  }
0xb2: {  	s29 =	simm.s32 $0x9;
	_ =	strace $0x8000004E  }
0xb3: {  	_ =	swait.ge [sflag:s29], $0x1  }
0xb4: {  	[sflag:s29] =	ssyncadd.s32 $0xFFFFFFFF  }
0xb5: {  	_ =	strace $0x9000004E  }
0xb6: {  	_ =	sfence  }
0xb7: {  	s30 =	sld [smem:$0x0];
	_ =	sdelay $0x2  }
0xb8: {  	s31 =	sshll.u32 s1, $0xD;
	s1 =	sshrl.u32 s1, $0x2  }
0xb9: {  	s3 =	sand.u32 $0x4000, s31;
	s1 =	sadd.s32 s1, s30  }
0xba: {  	s0 =	sor.u32 s3, s0;
	s1 =	sshll.u32 s1, $0x11  }
0xbb: {  	s0 =	sor.u32 s1, s0  }
0xbc: {  	s0 =	sadd.s32 $0x8F2B, s0  }
0xbd: {  	[sflag:s0] =	ssyncadd.remote.s32 $0x1  }
0xbe: {  	_ =	sfence.sel $0xFFFF  }
0xbf: {  	[dreg:$0x0] =	wrdreg $0xFFFFFFFF;
	(pc) =	sbr.abs _section_cstart, $3  }
0xc0: {  	[dreg:$0x1] =	wrdreg $0xFFFFFFFF  }
0xc1: {  	_ =	task.clear_ibuf [dreg:s7], $0x2FFFF;
	_ =	strace $0x9FFFFFFF  }
0xc2: {  	(tm) =	ssettm $0x7FFFFFFF  }
0xc3: {  	_ =	shalt  }
tec
execute0_lowered:
.L_overlay_start_1:
0x0: {  	(tag) =	ssettag $0x1  }
0x1: {  	s2 =	rddreg [dreg:$0x0];
	s1 =	srdreg.scid  }
0x2: {  	s0 =	stileid.u32;
	s4 =	rddreg [dreg:$0x1];
	s9 =	simm.s32 $0xEB00  }
0x3: {  	s10 =	simm.s32 $0x1;
	s11 =	simm.s32 $0x2;
	s12 =	simm.s32 $0x3  }
0x4: {  	s13 =	simm.s32 $0x11280;
	s14 =	simm.s32 $0x80;
	s15 =	simm.s32 $0x400  }
0x5: {  	s16 =	simm.s32 $0x4;
	s17 =	simm.s32 $0x0;
	s5 =	sand.u32 $0x1, s1  }
0x6: {  	s3 =	sshll.u32 s0, $0x1;
	s1 =	rddreg [dreg:$0x2];
	s7 =	sshrl.u32 s0, $0x2  }
0x7: {  	s6 =	sor.u32 s5, s3;
	s3 =	simm.s32 $0x0;
	s7 =	smul.u32 $0x61C00, s7  }
0x8: {  	s5 =	ssub.s32 $0x2, s5;
	s8 =	sshll.u32 s6, $0x7;
	s6 =	smul.u32 $0x2710, s6  }
0x9: {  	[smem:$0x7FF] =	sst s3;
	s30 =	sshrl.u32 s5, $0x1;
	s8 =	sand.u32 $0x380, s8  }
0xa: {  	_ =	strace $0x8000004D;
	s7 =	sor.u32 s7, s8;
	s6 =	sshrl.u32 s6, $0x3  }
0xb: {  	s31 =	ssub.s32 s5, s30;
	s7 =	sshrl.u32 s7, $0x3;
	s6 =	sadd.s32 s6, s4  }
0xc: {  	s8 =	simm.s32 $0xC380;
	s7 =	sadd.s32 s7, s4;
	s4 =	sadd.s32 $0x2C00, s6  }
0xd: {  	v0 =	vimm.f32 $0.0e+00;
	s5 =	sadd.s32 $0xC840, s6;
	s6 =	sadd.s32 $0x16600, s7;
	s7 =	smax.u32 s31, $0x1  }
.LBB2_1:
0xe: {  	[tilespmem:s3], [sflag:$0x1] =	stream.linear.gather [hbm4b:s2+s3], $0xC380, $0x38;
	[tilespmem:$0x1D600] =	vst v63  }
0xf: {  	_ = 	snop  }
0x10: {  	[tilespmem:s8], [sflag:$0x2] =	stream.linear.gather [hbm4b:s4+s3], $0x2710, $0x38;
	[tilespmem:$0x1D600] =	vst v63  }
0x11: {  	s18 =	simm.s32 $0x11340  }
0x12: {  	[tilespmem:s9], [sflag:$0x3] =	stream.linear.gather [hbm4b:s5+s3], $0x2710, $0x38;
	[tilespmem:$0x1D600] =	vst v63  }
0x13: {  	[tilespmem:s18+$0xFFFFFF40] =	vst v0  }
0x14: {  	[tilespmem:s18+$0xFFFFFFB0] =	vst v0  }
0x15: {  	[tilespmem:s18+$0xFFFFFFA0] =	vst v0  }
0x16: {  	[tilespmem:s18+$0xFFFFFF90] =	vst v0  }
0x17: {  	[tilespmem:s18+$0xFFFFFF80] =	vst v0  }
0x18: {  	[tilespmem:s18+$0xFFFFFF70] =	vst v0  }
0x19: {  	[tilespmem:s18+$0xFFFFFF60] =	vst v0  }
0x1a: {  	s19 =	sand.u32 $0xFFF0, s3;
	[tilespmem:s18+$0xFFFFFF50] =	vst v0  }
0x1b: {  	[tilespmem:s19+$0x11300] =	vst v0  }
0x1c: {  	[tilespmem:s18+$0x30] =	vst v0  }
0x1d: {  	[tilespmem:s18+$0x20] =	vst v0  }
0x1e: {  	s20 =	simm.s32 $0x0;
	s21 =	simm.s32 $0x0;
	s22 =	simm.s32 $0x11340;
	[tilespmem:s18+$0x10] =	vst v0  }
.LBB2_2:
0x1f: {  	s20 =	sadd.s32 $0x19, s20;
	[tilespmem:s18+$0x0] =	vst v0;
	s21 =	sadd.s32 $0x190, s21;
	s22 =	sadd.s32 $0x190, s22  }
0x20: {  	p0 =	slt.u32 s20, $0xC1C;
	[tilespmem:s18+$0xFFFFFFF0] =	vst v0  }
0x21: {  	[tilespmem:s18+$0xFFFFFFD0] =	vst v0  }
0x22: {  	[tilespmem:s18+$0xFFFFFFE0] =	vst v0  }
0x23: {  	[tilespmem:s19+$0x11380] =	vst v0  }
0x24: {  	[tilespmem:s18+$0x50] =	vst v0  }
0x25: {  	[tilespmem:s18+$0xB0] =	vst v0  }
0x26: {  	[tilespmem:s18+$0xA0] =	vst v0  }
0x27: {  	[tilespmem:s18+$0x90] =	vst v0  }
0x28: {  	[tilespmem:s18+$0x80] =	vst v0  }
0x29: {  	[tilespmem:s18+$0x60] =	vst v0  }
0x2a: {  	[tilespmem:s18+$0x70] =	vst v0;
	s18 =	smov.u32 s22  }
0x2b: {  	[tilespmem:s19+$0x11400] =	vst v0  }
0x2c: {  	[tilespmem:s22+$0xFFFFFF40] =	vst v0  }
0x2d: {  	[tilespmem:s22+$0xFFFFFFB0] =	vst v0  }
0x2e: {  	[tilespmem:s22+$0xFFFFFFA0] =	vst v0  }
0x2f: {  	[tilespmem:s22+$0xFFFFFF90] =	vst v0  }
0x30: {  	[tilespmem:s22+$0xFFFFFF80] =	vst v0  }
0x31: {  	[tilespmem:s22+$0xFFFFFF70] =	vst v0  }
0x32: {  	[tilespmem:s22+$0xFFFFFF60] =	vst v0  }
.Ltmp0:
0x33: {  	s19 =	sand.u32 $0xFFF0, s21;
	[tilespmem:s22+$0xFFFFFF50] =	vst v0;
	(pc) =	sbr.rel @p0 .LBB2_2-.Ltmp0, $4  }
0x34: {  	[tilespmem:s19+$0x11300] =	vst v0  }
0x35: {  	[tilespmem:s22+$0x30] =	vst v0  }
0x36: {  	[tilespmem:s22+$0x20] =	vst v0  }
0x37: {  	[tilespmem:s22+$0x10] =	vst v0  }
0x38: {  	[tilespmem:s18+$0x0] =	vst v0  }
0x39: {  	[tilespmem:s18+$0xFFFFFFF0] =	vst v0  }
0x3a: {  	[tilespmem:s18+$0xFFFFFFD0] =	vst v0  }
0x3b: {  	[tilespmem:s18+$0xFFFFFFE0] =	vst v0  }
0x3c: {  	[tilespmem:s19+$0x11380] =	vst v0  }
0x3d: {  	[tilespmem:s18+$0x50] =	vst v0  }
0x3e: {  	[tilespmem:s18+$0xB0] =	vst v0  }
0x3f: {  	[tilespmem:s18+$0xA0] =	vst v0  }
0x40: {  	[tilespmem:s18+$0x90] =	vst v0  }
0x41: {  	[tilespmem:s18+$0x80] =	vst v0  }
0x42: {  	[tilespmem:s18+$0x60] =	vst v0  }
0x43: {  	[tilespmem:s18+$0x70] =	vst v0  }
0x44: {  	[tilespmem:s19+$0x11400] =	vst v0  }
0x45: {  	_ =	swait.ge [sflag:s10], $0xC380  }
0x46: {  	[sflag:s10] =	ssyncset.done $0x0  }
0x47: {  	[sflag:s10] =	ssyncadd.s32 $0xFFFF3C80  }
0x48: {  	_ =	swait.ge [sflag:s11], $0x2710  }
0x49: {  	[sflag:s11] =	ssyncset.done $0x0  }
0x4a: {  	[sflag:s11] =	ssyncadd.s32 $0xFFFFD8F0  }
0x4b: {  	_ =	swait.ge [sflag:s12], $0x2710  }
0x4c: {  	[sflag:s12] =	ssyncset.done $0x0  }
0x4d: {  	s31 =	simm.s32 $0xC3A0;
	[sflag:s12] =	ssyncadd.s32 $0xFFFFD8F0  }
0x4e: {  	v1 =	vld [tilespmem:s31+$0x10]  }
0x4f: {  	v3 =	vld [tilespmem:s31+$0xFFFFFFE0]  }
0x50: {  	v2 =	vld [tilespmem:s31+$0xFFFFFFF0]  }
0x51: {  	s18 =	simm.s32 $0xEB20;
	v7 =	vld [tilespmem:s31+$0x0]  }
0x52: {  	v4 =	vld [tilespmem:s18+$0x10]  }
0x53: {  	v8 =	vld [tilespmem:s18+$0xFFFFFFE0]  }
0x54: {  	v10 =	vld [tilespmem:s18+$0xFFFFFFF0]  }
0x55: {  	v13 =	vld [tilespmem:s18+$0x0]  }
0x56: {  	v5 =	vld.idx.msk [tilespmem:v1+s3+$0x0], $0xffff  }
0x57: {  	v11 =	vld.idx.msk [tilespmem:v3+s3+$0x0], $0xffff  }
0x58: {  	v6 =	vld.idx.msk [tilespmem:v2+s3+$0x0], $0xffff  }
0x59: {  	v14 =	vld.idx.msk [tilespmem:v7+s3+$0x0], $0xffff  }
0x5a: {  	v9 =	vadd.s32 $0x2710, v1  }
0x5b: {  	v12 =	vadd.s32 $0x2710, v3;
	[tilespmem:v4+s13+$0x0] =	vst.idx.add.f32.msk $0xffff, v5  }
0x5c: {  	v16 =	vadd.s32 $0x2710, v7;
	[tilespmem:v8+s13+$0x0] =	vst.idx.add.f32.msk $0xffff, v11  }
0x5d: {  	[tilespmem:v10+s13+$0x0] =	vst.idx.add.f32.msk $0xffff, v6  }
0x5e: {  	v49 =	vadd.s32 $0x2710, v2;
	[tilespmem:v13+s13+$0x0] =	vst.idx.add.f32.msk $0xffff, v14  }
0x5f: {  	v48 =	vadd.s32 $0x2710, v4;
	v5 =	vld.idx.msk [tilespmem:v9+s3+$0x0], $0xffff  }
0x60: {  	v6 =	vadd.s32 $0x2710, v8;
	v12 =	vld.idx.msk [tilespmem:v12+s3+$0x0], $0xffff  }
0x61: {  	v18 =	vadd.s32 $0x2710, v13;
	v16 =	vld.idx.msk [tilespmem:v16+s3+$0x0], $0xffff  }
0x62: {  	v15 =	vadd.s32 $0x4E20, v1  }
0x63: {  	v52 =	vadd.s32 $0x4E20, v7;
	v11 =	vld.idx.msk [tilespmem:v49+s3+$0x0], $0xffff  }
0x64: {  	v17 =	vadd.s32 $0x2710, v10;
	[tilespmem:v48+s13+$0x0] =	vst.idx.add.f32.msk $0xffff, v5  }
0x65: {  	v5 =	vadd.s32 $0x4E20, v3;
	[tilespmem:v6+s13+$0x0] =	vst.idx.add.f32.msk $0xffff, v12  }
0x66: {  	v6 =	vadd.s32 $0x4E20, v2;
	[tilespmem:v18+s13+$0x0] =	vst.idx.add.f32.msk $0xffff, v16  }
0x67: {  	v50 =	vadd.s32 $0x4E20, v4;
	v9 =	vld.idx.msk [tilespmem:v15+s3+$0x0], $0xffff  }
0x68: {  	v57 =	vadd.s32 $0x4E20, v13;
	v12 =	vld.idx.msk [tilespmem:v52+s3+$0x0], $0xffff  }
0x69: {  	v51 =	vadd.s32 $0x7530, v1;
	[tilespmem:v17+s13+$0x0] =	vst.idx.add.f32.msk $0xffff, v11  }
0x6a: {  	v58 =	vadd.s32 $0x7530, v7;
	v5 =	vld.idx.msk [tilespmem:v5+s3+$0x0], $0xffff  }
0x6b: {  	v53 =	vadd.s32 $0x4E20, v8;
	v6 =	vld.idx.msk [tilespmem:v6+s3+$0x0], $0xffff  }
0x6c: {  	v56 =	vadd.s32 $0x4E20, v10;
	[tilespmem:v50+s13+$0x0] =	vst.idx.add.f32.msk $0xffff, v9  }
0x6d: {  	v55 =	vadd.s32 $0x7530, v3;
	[tilespmem:v57+s13+$0x0] =	vst.idx.add.f32.msk $0xffff, v12  }
0x6e: {  	v54 =	vadd.s32 $0x7530, v4;
	v14 =	vld.idx.msk [tilespmem:v51+s3+$0x0], $0xffff  }
0x6f: {  	v1 =	vadd.s32 $0x9C40, v1;
	v9 =	vld.idx.msk [tilespmem:v58+s3+$0x0], $0xffff  }
0x70: {  	[tilespmem:v53+s13+$0x0] =	vst.idx.add.f32.msk $0xffff, v5;
	v5 =	vadd.s32 $0x7530, v2  }
0x71: {  	v63 =	vadd.s32 $0x7530, v13;
	[tilespmem:v56+s13+$0x0] =	vst.idx.add.f32.msk $0xffff, v6  }
0x72: {  	v60 =	vadd.s32 $0x7530, v8;
	v59 =	vld.idx.msk [tilespmem:v55+s3+$0x0], $0xffff  }
0x73: {  	v3 =	vadd.s32 $0x9C40, v3;
	[tilespmem:v54+s13+$0x0] =	vst.idx.add.f32.msk $0xffff, v14  }
0x74: {  	v4 =	vadd.s32 $0x9C40, v4;
	v1 =	vld.idx.msk [tilespmem:v1+s3+$0x0], $0xffff  }
0x75: {  	v61 =	vadd.s32 $0x7530, v10;
	v62 =	vld.idx.msk [tilespmem:v5+s3+$0x0], $0xffff  }
0x76: {  	[tilespmem:v63+s13+$0x0] =	vst.idx.add.f32.msk $0xffff, v9  }
0x77: {  	[tilespmem:v60+s13+$0x0] =	vst.idx.add.f32.msk $0xffff, v59  }
0x78: {  	v6 =	vld.idx.msk [tilespmem:v3+s3+$0x0], $0xffff  }
0x79: {  	v5 =	vadd.s32 $0x9C40, v2;
	v2 =	vadd.s32 $0x9C40, v13;
	[tilespmem:v4+s13+$0x0] =	vst.idx.add.f32.msk $0xffff, v1  }
0x7a: {  	s20 =	simm.s32 $0xC3E0;
	s19 =	simm.s32 $0x0;
	v3 =	vadd.s32 $0x9C40, v10;
	v4 =	vadd.s32 $0x9C40, v7;
	v1 =	vadd.s32 $0x9C40, v8;
	[tilespmem:v61+s13+$0x0] =	vst.idx.add.f32.msk $0xffff, v62  }
.LBB2_4:
0x7b: {  	v7 =	vld [tilespmem:s20+$0x10];
	s19 =	sadd.s32 $0x4, s19  }
0x7c: {  	v8 =	vld [tilespmem:s20+$0xFFFFFFF0];
	p0 =	slt.u32 s19, $0x26C  }
0x7d: {  	v9 =	vld [tilespmem:s20+$0x0]  }
0x7e: {  	v10 =	vld [tilespmem:s20+$0xFFFFFFE0]  }
0x7f: {  	v11 =	vld.idx.msk [tilespmem:v5+s3+$0x0], $0xffff  }
0x80: {  	s18 =	sadd.s32 $0x40, s18;
	v12 =	vld.idx.msk [tilespmem:v4+s3+$0x0], $0xffff  }
0x81: {  	v13 =	vadd.s32 $0x2710, v8;
	v14 =	vadd.s32 $0x4E20, v8;
	v15 =	vadd.s32 $0x7530, v8;
	v16 =	vld [tilespmem:s18+$0x10]  }
0x82: {  	v17 =	vld [tilespmem:s18+$0xFFFFFFE0];
	v18 =	vadd.s32 $0x2710, v9;
	v19 =	vadd.s32 $0x4E20, v9;
	v20 =	vadd.s32 $0x7530, v9  }
0x83: {  	v21 =	vadd.s32 $0x2710, v10;
	v22 =	vadd.s32 $0x4E20, v10;
	v23 =	vadd.s32 $0x7530, v10;
	v24 =	vld.idx.msk [tilespmem:v7+s3+$0x0], $0xffff  }
0x84: {  	v5 =	vadd.s32 $0x9C40, v8;
	v4 =	vadd.s32 $0x9C40, v9;
	v25 =	vadd.s32 $0x9C40, v10;
	v26 =	vld.idx.msk [tilespmem:v8+s3+$0x0], $0xffff  }
0x85: {  	v8 =	vld.idx.msk [tilespmem:v9+s3+$0x0], $0xffff;
	v9 =	vadd.s32 $0x2710, v7  }
0x86: {  	v10 =	vld.idx.msk [tilespmem:v10+s3+$0x0], $0xffff  }
0x87: {  	v27 =	vadd.s32 $0x2710, v17;
	v28 =	vadd.s32 $0x4E20, v17;
	v29 =	vadd.s32 $0x7530, v17;
	v30 =	vld [tilespmem:s18+$0xFFFFFFF0]  }
0x88: {  	v31 =	vadd.s32 $0x9C40, v17;
	v32 =	vld [tilespmem:s18+$0x0]  }
0x89: {  	[tilespmem:v16+s13+$0x0] =	vst.idx.add.f32.msk $0xffff, v24  }
0x8a: {  	v9 =	vld.idx.msk [tilespmem:v9+s3+$0x0], $0xffff  }
0x8b: {  	v24 =	vadd.s32 $0x2710, v16;
	[tilespmem:v1+s13+$0x0] =	vst.idx.add.f32.msk $0xffff, v6;
	v1 =	vmov v31  }
0x8c: {  	[tilespmem:v17+s13+$0x0] =	vst.idx.add.f32.msk $0xffff, v10;
	v6 =	vadd.s32 $0x2710, v30;
	v10 =	vadd.s32 $0x4E20, v30;
	v17 =	vadd.s32 $0x4E20, v7  }
0x8d: {  	v31 =	vadd.s32 $0x7530, v30;
	v21 =	vld.idx.msk [tilespmem:v21+s3+$0x0], $0xffff;
	v33 =	vadd.s32 $0x2710, v32;
	v34 =	vadd.s32 $0x4E20, v32  }
0x8e: {  	v35 =	vadd.s32 $0x7530, v32;
	v36 =	vadd.s32 $0x9C40, v32;
	[tilespmem:v3+s13+$0x0] =	vst.idx.add.f32.msk $0xffff, v11;
	v3 =	vadd.s32 $0x9C40, v30  }
0x8f: {  	[tilespmem:v30+s13+$0x0] =	vst.idx.add.f32.msk $0xffff, v26  }
0x90: {  	[tilespmem:v24+s13+$0x0] =	vst.idx.add.f32.msk $0xffff, v9  }
0x91: {  	v9 =	vld.idx.msk [tilespmem:v17+s3+$0x0], $0xffff  }
0x92: {  	[tilespmem:v32+s13+$0x0] =	vst.idx.add.f32.msk $0xffff, v8;
	v8 =	vadd.s32 $0x4E20, v16  }
0x93: {  	v11 =	vld.idx.msk [tilespmem:v13+s3+$0x0], $0xffff;
	v13 =	vadd.s32 $0x7530, v7  }
0x94: {  	v17 =	vld.idx.msk [tilespmem:v18+s3+$0x0], $0xffff  }
0x95: {  	[tilespmem:v27+s13+$0x0] =	vst.idx.add.f32.msk $0xffff, v21  }
0x96: {  	v18 =	vld.idx.msk [tilespmem:v22+s3+$0x0], $0xffff  }
0x97: {  	[tilespmem:v8+s13+$0x0] =	vst.idx.add.f32.msk $0xffff, v9  }
0x98: {  	v8 =	vld.idx.msk [tilespmem:v13+s3+$0x0], $0xffff  }
0x99: {  	[tilespmem:v6+s13+$0x0] =	vst.idx.add.f32.msk $0xffff, v11;
	v6 =	vadd.s32 $0x7530, v16  }
0x9a: {  	v7 =	vadd.s32 $0x9C40, v7;
	[tilespmem:v33+s13+$0x0] =	vst.idx.add.f32.msk $0xffff, v17  }
0x9b: {  	v9 =	vld.idx.msk [tilespmem:v14+s3+$0x0], $0xffff  }
0x9c: {  	v11 =	vld.idx.msk [tilespmem:v19+s3+$0x0], $0xffff  }
0x9d: {  	[tilespmem:v28+s13+$0x0] =	vst.idx.add.f32.msk $0xffff, v18  }
0x9e: {  	[tilespmem:v6+s13+$0x0] =	vst.idx.add.f32.msk $0xffff, v8  }
0x9f: {  	v6 =	vld.idx.msk [tilespmem:v7+s3+$0x0], $0xffff  }
0xa0: {  	v8 =	vadd.s32 $0x9C40, v16;
	v7 =	vld.idx.msk [tilespmem:v23+s3+$0x0], $0xffff  }
0xa1: {  	[tilespmem:v10+s13+$0x0] =	vst.idx.add.f32.msk $0xffff, v9  }
0xa2: {  	[tilespmem:v34+s13+$0x0] =	vst.idx.add.f32.msk $0xffff, v11  }
0xa3: {  	v9 =	vld.idx.msk [tilespmem:v15+s3+$0x0], $0xffff  }
0xa4: {  	v10 =	vld.idx.msk [tilespmem:v20+s3+$0x0], $0xffff  }
0xa5: {  	[tilespmem:v8+s13+$0x0] =	vst.idx.add.f32.msk $0xffff, v6  }
.Ltmp1:
0xa6: {  	[tilespmem:v29+s13+$0x0] =	vst.idx.add.f32.msk $0xffff, v7;
	(pc) =	sbr.rel @p0 .LBB2_4-.Ltmp1, $4  }
0xa7: {  	v6 =	vld.idx.msk [tilespmem:v25+s3+$0x0], $0xffff  }
0xa8: {  	[tilespmem:v2+s13+$0x0] =	vst.idx.add.f32.msk $0xffff, v12;
	v2 =	vmov v36  }
0xa9: {  	[tilespmem:v31+s13+$0x0] =	vst.idx.add.f32.msk $0xffff, v9  }
0xaa: {  	s20 =	sadd.s32 $0x40, s20;
	[tilespmem:v35+s13+$0x0] =	vst.idx.add.f32.msk $0xffff, v10  }
0xab: {  	_ =	sdelay $0x3  }
0xac: {  	v5 =	vld.idx.msk [tilespmem:v5+s3+$0x0], $0xffff  }
0xad: {  	v4 =	vld.idx.msk [tilespmem:v4+s3+$0x0], $0xffff;
	_ =	sdelay $0x2  }
0xae: {  	[tilespmem:v1+s13+$0x0] =	vst.idx.add.f32.msk $0xffff, v6  }
0xaf: {  	[tilespmem:v3+s13+$0x0] =	vst.idx.add.f32.msk $0xffff, v5  }
0xb0: {  	[tilespmem:v2+s13+$0x0] =	vst.idx.add.f32.msk $0xffff, v4  }
0xb1: {  	v1 =	vld [tilespmem:$0xEA80];
	_ =	sdelay $0x4  }
0xb2: {  	v2 =	vld [tilespmem:$0x11200];
	_ =	sdelay $0x2  }
0xb3: {  	v3 =	vld.idx.msk [tilespmem:v1+s3+$0x0], $0xffff  }
0xb4: {  	v58 =	vadd.s32 $0x2710, v1;
	_ =	sdelay $0x3  }
0xb5: {  	[tilespmem:v2+s13+$0x0] =	vst.idx.add.f32.msk $0xffff, v3  }
0xb6: {  	v59 =	vadd.s32 $0x2710, v2;
	v3 =	vld.idx.msk [tilespmem:v58+s3+$0x0], $0xffff  }
0xb7: {  	v60 =	vadd.s32 $0x4E20, v1;
	_ =	sdelay $0x3  }
0xb8: {  	[tilespmem:v59+s13+$0x0] =	vst.idx.add.f32.msk $0xffff, v3  }
0xb9: {  	v61 =	vadd.s32 $0x4E20, v2;
	v3 =	vld.idx.msk [tilespmem:v60+s3+$0x0], $0xffff  }
0xba: {  	v62 =	vadd.s32 $0x7530, v1;
	_ =	sdelay $0x3  }
0xbb: {  	[tilespmem:v61+s13+$0x0] =	vst.idx.add.f32.msk $0xffff, v3  }
0xbc: {  	v63 =	vadd.s32 $0x7530, v2;
	v3 =	vld.idx.msk [tilespmem:v62+s3+$0x0], $0xffff  }
0xbd: {  	v1 =	vadd.s32 $0x9C40, v1;
	_ =	sdelay $0x3  }
0xbe: {  	[tilespmem:v63+s13+$0x0] =	vst.idx.add.f32.msk $0xffff, v3  }
0xbf: {  	v2 =	vadd.s32 $0x9C40, v2;
	v1 =	vld.idx.msk [tilespmem:v1+s3+$0x0], $0xffff;
	_ =	sdelay $0x2  }
0xc0: {  	s17 =	sadd.s32 $0x1, s17  }
0xc1: {  	p0 =	sne.s32 s17, s7  }
.Ltmp2:
0xc2: {  	[tilespmem:v2+s13+$0x0] =	vst.idx.add.f32.msk $0xffff, v1;
	(pc) =	sbr.rel @p0 .LBB2_1-.Ltmp2, $4  }
0xc3: {  	[hbm4b:s6+s14] =	stream.strided.scatter [tilespmem:s13], [sflag:$0x4], $0xC380, s15, s14, $0x38;
	[tilespmem:$0x1D600] =	vst v63  }
0xc4: {  	_ =	swait.ge [sflag:s16], $0xC380  }
0xc5: {  	[sflag:s16] =	ssyncset.done $0x0  }
0xc6: {  	[sflag:s16] =	ssyncadd.s32 $0xFFFF3C80  }
0xc7: {  	_ =	sfence.sel $0x180000  }
0xc8: {  	[bflag:$0x0] =	sbarrier.arrive $0xFFFF  }
0xc9: {  	p0 =	sne.s32 s0, $0x0;
	_ =	strace $0x9000004D  }
0xca: {  	s0 =	sadd.s32 @!p0 $0x100000, s1;
	[bflag:$0x2] =	sbarrier.arrive $0xFFFF  }
0xcb: {  	[sflag:s0] =	ssyncadd.tile.s32 @!p0 $0x1;
	_ =	shalt  }
.Lfunc_end2:
_tile_overlayer_lowered:
.L_overlay_start_2:
0xcc: {  	(tag) =	ssettag $0x2  }
0xcd: {  	s0 =	rddreg [dreg:$0x0];
	s2 =	stileid.u32  }
0xce: {  	s1 =	rddreg [dreg:$0x1];
	p0 =	sne.s32 s2, $0x0  }
0xcf: {  	s3 =	rddreg [dreg:$0x2];
	[bflag:$0x3] =	sbarrier.arrive $0xFFFF;
	s2 =	simm.s32 @!p0 $0x1C04  }
0xd0: {  	[timem:s3], [sflag:s2] =	dma.local @!p0 [hbm:s0], s1  }
0xd1: {  	s0 =	simm.s32 @!p0 $0x4  }
0xd2: {  	_ =	swait.ge @!p0 [sflag:s0], s1  }
0xd3: {  	s1 =	ssub.s32 @!p0 $0x0, s1;
	[sflag:s0] =	ssyncset.done @!p0 $0x0  }
0xd4: {  	[sflag:s0] =	ssyncadd.s32 @!p0 s1  }
0xd5: {  	[bflag:$0x3] =	sbarrier.arrive $0xFFFF  }
0xd6: {  	_ =	shalt  }

// kernel: kernel.9.cloned.1.call-start
scs
__scs_entry_jumppad:
0x0: {  	(pc) =	sbr.rel $0x88, $3  }
0x1: {  	(tag) =	ssettag $0x0;
	lr =	simm.s32 $0x1  }
0x2: {  	[smem:$0x3F9B] =	sst lr;
	_ =	strace $0xD0000000  }
0x3: {  	_ = 	snop  }
0x4: {  	_ = 	snop  }
0x5: {  	_ = 	snop  }
0x6: {  	_ = 	snop  }
0x7: {  	_ = 	snop  }
__scs_overlays_trampoline_lowered:
0x8: {  	[smem:$0x3FAA] =	sst s0  }
0x9: {  	[smem:$0x3FAB] =	sst s1  }
0xa: {  	[smem:$0x3FAC] =	sst s2  }
0xb: {  	[smem:$0x3FAD] =	sst s3  }
0xc: {  	[smem:$0x3FAE] =	sst s4  }
0xd: {  	[smem:$0x3FAF] =	sst s5  }
0xe: {  	[smem:$0x3FB0] =	sst s6  }
0xf: {  	[smem:$0x3FB1] =	sst s7  }
0x10: {  	[smem:$0x3FB2] =	sst s8  }
0x11: {  	[smem:$0x3FB3] =	sst s9;
	s0 =	simm.s32 @!p0 $0x0  }
0x12: {  	s1 =	sld [smem:$0x3F99];
	s0 =	simm.s32 @p0 $0x1  }
0x13: {  	[smem:$0x3FB4] =	sst s0;
	s0 =	simm.s32 @!p1 $0x0  }
0x14: {  	s2 =	sld [smem:$0x3F98];
	s0 =	simm.s32 @p1 $0x1  }
0x15: {  	[smem:$0x3FB5] =	sst s0;
	s0 =	simm.s32 @!p2 $0x0  }
0x16: {  	s3 =	sld [smem:$0x3FDB];
	s0 =	simm.s32 @p2 $0x1  }
0x17: {  	s4 =	simm.s32 $0x1BF5;
	[smem:$0x3FB7] =	sst s0  }
0x18: {  	s0 =	sld [smem:$0x3F9A];
	_ =	swait.ge [sflag:s4], $0x0  }
0x19: {  	s7 =	sld [smem:$0x3F9B]  }
0x1a: {  	s8 =	sadd.s32 $0xFFFFE003, lr  }
0x1b: {  	s9 =	sadd.s32 $0xFFFFFEF7, lr;
	s5 =	simm.s32 $0xFFFFFFFF;
	p2 =	slt.u32 s8, $0xFFFFF086  }
0x1c: {  	p1 =	slt.u32 s9, $0xF7A;
	s5 =	simm.s32 @!p2 $0x0  }
0x1d: {  	s5 =	simm.s32 @p1 $0x1;
	p0 =	seq.s32 s7, s2  }
0x1e: {  	s7 =	smul.u32 @!p0 $0xF7A, s2;
	p2 =	seq.s32 @!p0 s5, $0x0  }
0x1f: {  	s9 =	smul.u32 $0xF7A, s1;
	s8 =	simm.s32 @!p0 $0x1BF5;
	p2 =	por !p2, p0  }
0x20: {  	[sflag:s8] =	ssyncset.s32 @!p0 $0xFFFFF086;
	s6 =	sadd.s32 @!p0 s3, s7;
	s7 =	simm.s32 @!p0 $0x108  }
0x21: {  	s3 =	sadd.s32 s3, s9;
	s6 =	sadd.s32 @!p0 $0x88, s6;
	s7 =	simm.s32 @p2 $0x1082  }
0x22: {  	[simem:s7], [sflag:s8] =	dma.local @!p0 [hbm:s6], $0xF7A  }
0x23: {  	s9 =	sor.u32 $0xD0000000, s2;
	s6 =	simm.s32 $0x108;
	_ =	swait.ge @!p0 [sflag:s8], $0x0  }
0x24: {  	s3 =	sadd.s32 $0x88, s3;
	s6 =	simm.s32 @!p1 $0x1082;
	[sflag:s4] =	ssyncset.s32 $0xFFFFF086  }
0x25: {  	[simem:s6], [sflag:s4] =	dma.local [hbm:s3], $0xF7A  }
0x26: {  	[smem:$0x3F9B] =	sst s1;
	(tag) =	ssettag s2;
	_ =	strace s9  }
0x27: {  	s1 =	sld [smem:$0x3FAB]  }
0x28: {  	s2 =	sld [smem:$0x3FAC]  }
0x29: {  	s4 =	sld [smem:$0x3FAE]  }
0x2a: {  	p0 =	seq.s32 s5, $0x0;
	s5 =	sld [smem:$0x3FAF]  }
0x2b: {  	s6 =	sld [smem:$0x3FB0]  }
0x2c: {  	s7 =	sld [smem:$0x3FB1]  }
0x2d: {  	s3 =	simm.s32 $0x108;
	s8 =	sld [smem:$0x3FB2]  }
0x2e: {  	s3 =	simm.s32 @!p0 $0x1082;
	s9 =	sld [smem:$0x3FB3]  }
0x2f: {  	lr =	sadd.s32 s0, s3;
	s0 =	sld [smem:$0x3FAA]  }
0x30: {  	s3 =	sld [smem:$0x3FAD]  }
0x31: {  	[smem:$0x3FB6] =	sst s10  }
0x32: {  	s10 =	sld [smem:$0x3FB4];
	_ =	sdelay $0x3  }
0x33: {  	p0 =	seq.s32 s10, $0x1;
	s10 =	sld [smem:$0x3FB6];
	_ =	sdelay $0x3  }
0x34: {  	[smem:$0x3FB6] =	sst s10  }
0x35: {  	s10 =	sld [smem:$0x3FB5];
	_ =	sdelay $0x3  }
0x36: {  	p1 =	seq.s32 s10, $0x1;
	s10 =	sld [smem:$0x3FB6];
	_ =	sdelay $0x3  }
0x37: {  	[smem:$0x3FB6] =	sst s10  }
0x38: {  	s10 =	sld [smem:$0x3FB7]  }
0x39: {  	_ = 	snop;
	(pc) =	sbr.ind lr, $3  }
0x3a: {  	_ = 	snop  }
0x3b: {  	_ = 	snop  }
0x3c: {  	p2 =	seq.s32 s10, $0x1;
	s10 =	sld [smem:$0x3FB6]  }
0x3d: {  	_ =	shalt  }
0x3e: {  	_ =	shalt  }
0x3f: {  	_ =	shalt  }
0x40: {  	_ =	shalt  }
0x41: {  	_ =	shalt  }
0x42: {  	_ =	shalt  }
0x43: {  	_ =	shalt  }
0x44: {  	_ =	shalt  }
0x45: {  	_ =	shalt  }
0x46: {  	_ =	shalt  }
0x47: {  	_ =	shalt  }
0x48: {  	_ =	shalt  }
0x49: {  	_ =	shalt  }
0x4a: {  	_ =	shalt  }
0x4b: {  	_ =	shalt  }
0x4c: {  	_ =	shalt  }
0x4d: {  	_ =	shalt  }
0x4e: {  	_ =	shalt  }
0x4f: {  	_ =	shalt  }
0x50: {  	_ =	shalt  }
0x51: {  	_ =	shalt  }
0x52: {  	_ =	shalt  }
0x53: {  	_ =	shalt  }
0x54: {  	_ =	shalt  }
0x55: {  	_ =	shalt  }
0x56: {  	_ =	shalt  }
0x57: {  	_ =	shalt  }
0x58: {  	_ =	shalt  }
0x59: {  	_ =	shalt  }
0x5a: {  	_ =	shalt  }
0x5b: {  	_ =	shalt  }
0x5c: {  	_ =	shalt  }
0x5d: {  	_ =	shalt  }
0x5e: {  	_ =	shalt  }
0x5f: {  	_ =	shalt  }
0x60: {  	_ =	shalt  }
0x61: {  	_ =	shalt  }
0x62: {  	_ =	shalt  }
0x63: {  	_ =	shalt  }
0x64: {  	_ =	shalt  }
0x65: {  	_ =	shalt  }
0x66: {  	_ =	shalt  }
0x67: {  	_ =	shalt  }
0x68: {  	_ =	shalt  }
0x69: {  	_ =	shalt  }
0x6a: {  	_ =	shalt  }
0x6b: {  	_ =	shalt  }
0x6c: {  	_ =	shalt  }
0x6d: {  	_ =	shalt  }
0x6e: {  	_ =	shalt  }
0x6f: {  	_ =	shalt  }
0x70: {  	_ =	shalt  }
0x71: {  	_ =	shalt  }
0x72: {  	_ =	shalt  }
0x73: {  	_ =	shalt  }
0x74: {  	_ =	shalt  }
0x75: {  	_ =	shalt  }
0x76: {  	_ =	shalt  }
0x77: {  	_ =	shalt  }
0x78: {  	_ =	shalt  }
0x79: {  	_ =	shalt  }
0x7a: {  	_ =	shalt  }
0x7b: {  	_ =	shalt  }
0x7c: {  	_ =	shalt  }
0x7d: {  	_ =	shalt  }
0x7e: {  	_ =	shalt  }
0x7f: {  	_ =	shalt  }
0x80: {  	_ =	shalt  }
0x81: {  	_ =	shalt  }
0x82: {  	_ =	shalt  }
0x83: {  	_ =	shalt  }
0x84: {  	_ =	shalt  }
0x85: {  	_ =	shalt  }
0x86: {  	_ =	shalt  }
0x87: {  	_ =	shalt  }
.Lfunc_end0:
.L_simem_size_0:
called_computation_lowered:
.L_overlay_start_0:
0x88: {  	s2 =	sld [smem:$0x3FD9]  }
0x89: {  	s3 =	sld [smem:$0x3FFE];
	_ =	sdelay $0x1  }
0x8a: {  	s1 =	srdreg.scid  }
0x8b: {  	s0 =	sand.u32 $0x1, s1  }
0x8c: {  	s17 =	sshll.u32 s0, $0xA;
	s2 =	sadd.s32 s3, s2  }
0x8d: {  	s2 =	sadd.s32 s2, s17  }
0x8e: {  	[smem:$0x3FC2] =	sst s2  }
0x8f: {  	_ = 	snop  }
0x90: {  	s2 =	sld [smem:$0x3FD0];
	(tm) =	ssettm $0x1  }
0x91: {  	s18 =	sld [smem:$0x3FFB];
	_ =	sdelay $0x3  }
0x92: {  	_ =	strace s18  }
0x93: {  	s3 =	sld [smem:$0x3FFC];
	_ =	sdelay $0x3  }
0x94: {  	_ =	strace s3  }
0x95: {  	s3 =	sld [smem:$0x3FFD];
	_ =	sdelay $0x3  }
0x96: {  	_ =	strace s3  }
0x97: {  	_ =	strace $0x8FFFFFFF  }
0x98: {  	s19 =	sld [smem:$0x3FDB];
	_ =	sdelay $0x1  }
0x99: {  	s4 =	simm.s32 $_scs_section_size  }
0x9a: {  	s5 =	simm.s32 $_size__tile_overlayer_lowered;
	s6 =	simm.s32 $_tile_overlayer_lowered  }
0x9b: {  	s22 =	simm.s32 $0x1BFF;
	s21 =	sshll.u32 s6, $0x1;
	s3 =	sadd.s32 s4, s19  }
0x9c: {  	s7 =	simm.s32 $0x0;
	s20 =	sshll.u32 s5, $0x1;
	s5 =	sadd.s32 s21, s3  }
0x9d: {  	[timem:s7], [sflag:s22] =	dma.local [hbm:s5], s20  }
0x9e: {  	_ =	swait.ge [sflag:s22], s20  }
0x9f: {  	s4 =	ssub.s32 $0x0, s20;
	[sflag:s22] =	ssyncset.done $0x0  }
0xa0: {  	[sflag:s22] =	ssyncadd.s32 s4;
	_ =	sdelay $0x1  }
0xa1: {  	s23 =	simm.s32 $0x1B8B  }
0xa2: {  	_ =	swait.ge [sflag:s23], $0x1  }
0xa3: {  	[sflag:s23] =	ssyncset.done $0x0  }
0xa4: {  	s25 =	simm.s32 $0x1B8E;
	s24 =	sld [smem:$0x3FFE];
	[sflag:s23] =	ssyncadd.s32 $0xFFFFFFFF  }
0xa5: {  	s26 =	simm.s32 $execute0_lowered;
	[smem:$0x3FD2] =	sst s25  }
0xa6: {  	s5 =	sshll.u32 s26, $0x1;
	_ =	strace $0x80000046;
	[dreg:$0x1] =	wrdreg $0xFFFFFFFF  }
0xa7: {  	s28 =	simm.s32 $_size_execute0_lowered;
	s3 =	sadd.s32 s3, s5;
	[dreg:$0x0] =	wrdreg $0x0  }
0xa8: {  	s5 =	sshll.u32 s28, $0x1;
	[dreg:$0x2] =	wrdreg s3  }
0xa9: {  	[dreg:$0x3] =	wrdreg s5  }
0xaa: {  	[dreg:$0x4] =	wrdreg $0xC0  }
0xab: {  	_ =	task [dreg:s7], $0x5FFFF  }
0xac: {  	[dreg:$0x1] =	wrdreg $0xFFFFFFFF  }
0xad: {  	[dreg:$0x0] =	wrdreg $0x60  }
0xae: {  	[dreg:$0x2] =	wrdreg s24  }
0xaf: {  	[dreg:$0x3] =	wrdreg s2  }
0xb0: {  	[dreg:$0x4] =	wrdreg $0x9  }
0xb1: {  	_ =	task.clear_ibuf [dreg:s7], $0x5FFFF;
	_ =	strace $0x90000046  }
0xb2: {  	s29 =	simm.s32 $0x9;
	_ =	strace $0x80000048  }
0xb3: {  	_ =	swait.ge [sflag:s29], $0x1  }
0xb4: {  	[sflag:s29] =	ssyncadd.s32 $0xFFFFFFFF  }
0xb5: {  	_ =	strace $0x90000048  }
0xb6: {  	_ =	sfence  }
0xb7: {  	s30 =	sld [smem:$0x0];
	_ =	sdelay $0x2  }
0xb8: {  	s31 =	sshll.u32 s1, $0xD;
	s1 =	sshrl.u32 s1, $0x2  }
0xb9: {  	s3 =	sand.u32 $0x4000, s31;
	s1 =	sadd.s32 s1, s30  }
0xba: {  	s0 =	sor.u32 s3, s0;
	s1 =	sshll.u32 s1, $0x11  }
0xbb: {  	s0 =	sor.u32 s1, s0  }
0xbc: {  	s0 =	sadd.s32 $0x8F2B, s0  }
0xbd: {  	[sflag:s0] =	ssyncadd.remote.s32 $0x1  }
0xbe: {  	_ =	sfence.sel $0xFFFF  }
0xbf: {  	[dreg:$0x0] =	wrdreg $0xFFFFFFFF;
	(pc) =	sbr.abs _section_cstart, $3  }
0xc0: {  	[dreg:$0x1] =	wrdreg $0xFFFFFFFF  }
0xc1: {  	_ =	task.clear_ibuf [dreg:s7], $0x2FFFF;
	_ =	strace $0x9FFFFFFF  }
0xc2: {  	(tm) =	ssettm $0x7FFFFFFF  }
0xc3: {  	_ =	shalt  }
tec
execute0_lowered:
.L_overlay_start_1:
0x0: {  	(tag) =	ssettag $0x1  }
0x1: {  	s3 =	rddreg [dreg:$0x0];
	s1 =	srdreg.scid  }
0x2: {  	s0 =	stileid.u32;
	s4 =	rddreg [dreg:$0x1];
	s10 =	simm.s32 $0x2  }
0x3: {  	s11 =	simm.s32 $0x0;
	s5 =	sand.u32 $0x1, s1;
	s2 =	sshll.u32 s0, $0x1  }
0x4: {  	s1 =	rddreg [dreg:$0x2];
	s8 =	sshrl.u32 s0, $0x2;
	s6 =	sor.u32 s5, s2  }
0x5: {  	s2 =	simm.s32 $0x0;
	s8 =	smul.u32 $0x13C00, s8;
	s5 =	ssub.s32 $0x2, s5  }
0x6: {  	s7 =	smul.u32 $0x2710, s6;
	[smem:$0x7FF] =	sst s2;
	s6 =	sshll.u32 s6, $0x7  }
0x7: {  	s9 =	sshrl.u32 s5, $0x1;
	_ =	strace $0x80000047;
	s6 =	sand.u32 $0x380, s6  }
0x8: {  	s5 =	ssub.s32 s5, s9;
	s9 =	simm.s32 $0x400;
	s7 =	sshrl.u32 s7, $0x3  }
0x9: {  	s6 =	sor.u32 s8, s6;
	s5 =	smax.u32 s5, $0x1;
	s8 =	simm.s32 $0x80  }
0xa: {  	s3 =	sadd.s32 s3, s7;
	s6 =	sshrl.u32 s6, $0x3;
	s7 =	simm.s32 $0x2780  }
0xb: {  	v0 =	vimm.f32 $0.0e+00;
	v1 =	vimm.f32 $1.000000000e+00;
	s3 =	sadd.s32 $0xC840, s3;
	s4 =	sadd.s32 s4, s6;
	s6 =	simm.s32 $0x1  }
.LBB2_1:
0xc: {  	[tilespmem:s2], [sflag:$0x1] =	stream.linear.gather [hbm4b:s3+s2], $0x2710, $0x38;
	[tilespmem:$0x4F00] =	vst v63  }
0xd: {  	s12 =	simm.s32 $0x2840  }
0xe: {  	[tilespmem:s12+$0xFFFFFF40] =	vst v0  }
0xf: {  	[tilespmem:s12+$0xFFFFFFB0] =	vst v0  }
0x10: {  	[tilespmem:s12+$0xFFFFFFA0] =	vst v0  }
0x11: {  	[tilespmem:s12+$0xFFFFFF90] =	vst v0  }
0x12: {  	[tilespmem:s12+$0xFFFFFF80] =	vst v0  }
0x13: {  	[tilespmem:s12+$0xFFFFFF70] =	vst v0  }
0x14: {  	[tilespmem:s12+$0xFFFFFF60] =	vst v0  }
0x15: {  	s13 =	sand.u32 $0x3FF0, s2;
	[tilespmem:s12+$0xFFFFFF50] =	vst v0  }
0x16: {  	[tilespmem:s13+$0x2800] =	vst v0  }
0x17: {  	[tilespmem:s12+$0x30] =	vst v0  }
0x18: {  	[tilespmem:s12+$0x20] =	vst v0  }
0x19: {  	s14 =	simm.s32 $0x0;
	s15 =	simm.s32 $0x0;
	s16 =	simm.s32 $0x2840;
	[tilespmem:s12+$0x10] =	vst v0  }
.LBB2_2:
0x1a: {  	s14 =	sadd.s32 $0x19, s14;
	[tilespmem:s12+$0x0] =	vst v0;
	s15 =	sadd.s32 $0x190, s15;
	s16 =	sadd.s32 $0x190, s16  }
0x1b: {  	p0 =	slt.u32 s14, $0x258;
	[tilespmem:s12+$0xFFFFFFF0] =	vst v0  }
0x1c: {  	[tilespmem:s12+$0xFFFFFFD0] =	vst v0  }
0x1d: {  	[tilespmem:s12+$0xFFFFFFE0] =	vst v0  }
0x1e: {  	[tilespmem:s13+$0x2880] =	vst v0  }
0x1f: {  	[tilespmem:s12+$0x50] =	vst v0  }
0x20: {  	[tilespmem:s12+$0xB0] =	vst v0  }
0x21: {  	[tilespmem:s12+$0xA0] =	vst v0  }
0x22: {  	[tilespmem:s12+$0x90] =	vst v0  }
0x23: {  	[tilespmem:s12+$0x80] =	vst v0  }
0x24: {  	[tilespmem:s12+$0x60] =	vst v0  }
0x25: {  	[tilespmem:s12+$0x70] =	vst v0;
	s12 =	smov.u32 s16  }
0x26: {  	[tilespmem:s13+$0x2900] =	vst v0  }
0x27: {  	[tilespmem:s16+$0xFFFFFF40] =	vst v0  }
0x28: {  	[tilespmem:s16+$0xFFFFFFB0] =	vst v0  }
0x29: {  	[tilespmem:s16+$0xFFFFFFA0] =	vst v0  }
0x2a: {  	[tilespmem:s16+$0xFFFFFF90] =	vst v0  }
0x2b: {  	[tilespmem:s16+$0xFFFFFF80] =	vst v0  }
0x2c: {  	[tilespmem:s16+$0xFFFFFF70] =	vst v0  }
0x2d: {  	[tilespmem:s16+$0xFFFFFF60] =	vst v0  }
.Ltmp0:
0x2e: {  	s13 =	sand.u32 $0x3FF0, s15;
	[tilespmem:s16+$0xFFFFFF50] =	vst v0;
	(pc) =	sbr.rel @p0 .LBB2_2-.Ltmp0, $4  }
0x2f: {  	[tilespmem:s13+$0x2800] =	vst v0  }
0x30: {  	[tilespmem:s16+$0x30] =	vst v0  }
0x31: {  	[tilespmem:s16+$0x20] =	vst v0  }
0x32: {  	[tilespmem:s16+$0x10] =	vst v0  }
0x33: {  	[tilespmem:s12+$0x0] =	vst v0  }
0x34: {  	[tilespmem:s12+$0xFFFFFFF0] =	vst v0  }
0x35: {  	[tilespmem:s12+$0xFFFFFFD0] =	vst v0  }
0x36: {  	[tilespmem:s12+$0xFFFFFFE0] =	vst v0  }
0x37: {  	[tilespmem:s13+$0x2880] =	vst v0  }
0x38: {  	[tilespmem:s12+$0x50] =	vst v0  }
0x39: {  	[tilespmem:s12+$0xB0] =	vst v0  }
0x3a: {  	[tilespmem:s12+$0xA0] =	vst v0  }
0x3b: {  	[tilespmem:s12+$0x90] =	vst v0  }
0x3c: {  	[tilespmem:s12+$0x80] =	vst v0  }
0x3d: {  	[tilespmem:s12+$0x60] =	vst v0  }
0x3e: {  	[tilespmem:s12+$0x70] =	vst v0  }
0x3f: {  	[tilespmem:s13+$0x2900] =	vst v0  }
0x40: {  	_ =	swait.ge [sflag:s6], $0x2710  }
0x41: {  	[sflag:s6] =	ssyncset.done $0x0  }
0x42: {  	s12 =	simm.s32 $0x40;
	[sflag:s6] =	ssyncadd.s32 $0xFFFFD8F0  }
0x43: {  	v3 =	vld [tilespmem:s12+$0xFFFFFFC0]  }
0x44: {  	v4 =	vld [tilespmem:s12+$0x30]  }
0x45: {  	v5 =	vld [tilespmem:s12+$0x20]  }
0x46: {  	v6 =	vld [tilespmem:s12+$0x10]  }
0x47: {  	v7 =	vld [tilespmem:s12+$0x0]  }
0x48: {  	v8 =	vld [tilespmem:s12+$0xFFFFFFF0]  }
0x49: {  	v9 =	vld [tilespmem:s12+$0xFFFFFFE0]  }
0x4a: {  	v2 =	vld [tilespmem:s12+$0xFFFFFFD0]  }
0x4b: {  	[tilespmem:v3+s7+$0x0] =	vst.idx.add.f32.msk $0xffff, v1  }
0x4c: {  	[tilespmem:v4+s7+$0x0] =	vst.idx.add.f32.msk $0xffff, v1  }
0x4d: {  	[tilespmem:v5+s7+$0x0] =	vst.idx.add.f32.msk $0xffff, v1  }
0x4e: {  	[tilespmem:v6+s7+$0x0] =	vst.idx.add.f32.msk $0xffff, v1  }
0x4f: {  	[tilespmem:v7+s7+$0x0] =	vst.idx.add.f32.msk $0xffff, v1  }
0x50: {  	[tilespmem:v8+s7+$0x0] =	vst.idx.add.f32.msk $0xffff, v1  }
0x51: {  	s13 =	simm.s32 $0x0;
	[tilespmem:v9+s7+$0x0] =	vst.idx.add.f32.msk $0xffff, v1  }
.LBB2_4:
0x52: {  	s13 =	sadd.s32 $0x8, s13;
	[tilespmem:v2+s7+$0x0] =	vst.idx.add.f32.msk $0xffff, v1;
	s12 =	sadd.s32 $0x80, s12  }
0x53: {  	v3 =	vld [tilespmem:s12+$0xFFFFFFC0];
	p0 =	slt.u32 s13, $0x268  }
0x54: {  	v4 =	vld [tilespmem:s12+$0x30]  }
0x55: {  	v5 =	vld [tilespmem:s12+$0x20]  }
0x56: {  	v6 =	vld [tilespmem:s12+$0x10]  }
0x57: {  	v7 =	vld [tilespmem:s12+$0x0]  }
0x58: {  	v8 =	vld [tilespmem:s12+$0xFFFFFFF0]  }
0x59: {  	v9 =	vld [tilespmem:s12+$0xFFFFFFE0]  }
0x5a: {  	v2 =	vld [tilespmem:s12+$0xFFFFFFD0]  }
0x5b: {  	[tilespmem:v3+s7+$0x0] =	vst.idx.add.f32.msk $0xffff, v1  }
0x5c: {  	[tilespmem:v4+s7+$0x0] =	vst.idx.add.f32.msk $0xffff, v1  }
.Ltmp1:
0x5d: {  	[tilespmem:v5+s7+$0x0] =	vst.idx.add.f32.msk $0xffff, v1;
	(pc) =	sbr.rel @p0 .LBB2_4-.Ltmp1, $4  }
0x5e: {  	[tilespmem:v6+s7+$0x0] =	vst.idx.add.f32.msk $0xffff, v1  }
0x5f: {  	[tilespmem:v7+s7+$0x0] =	vst.idx.add.f32.msk $0xffff, v1  }
0x60: {  	[tilespmem:v8+s7+$0x0] =	vst.idx.add.f32.msk $0xffff, v1  }
0x61: {  	[tilespmem:v9+s7+$0x0] =	vst.idx.add.f32.msk $0xffff, v1  }
0x62: {  	_ =	sdelay $0x3  }
0x63: {  	[tilespmem:v2+s7+$0x0] =	vst.idx.add.f32.msk $0xffff, v1  }
0x64: {  	v2 =	vld [tilespmem:$0x2700];
	_ =	sdelay $0x5  }
0x65: {  	s11 =	sadd.s32 $0x1, s11  }
0x66: {  	p0 =	sne.s32 s11, s5  }
.Ltmp2:
0x67: {  	[tilespmem:v2+s7+$0x0] =	vst.idx.add.f32.msk $0xffff, v1;
	(pc) =	sbr.rel @p0 .LBB2_1-.Ltmp2, $4  }
0x68: {  	[hbm4b:s4+s8] =	stream.strided.scatter [tilespmem:s7], [sflag:$0x2], $0x2780, s9, s8, $0x38;
	[tilespmem:$0x4F00] =	vst v63  }
0x69: {  	_ =	swait.ge [sflag:s10], $0x2780  }
0x6a: {  	[sflag:s10] =	ssyncset.done $0x0  }
0x6b: {  	[sflag:s10] =	ssyncadd.s32 $0xFFFFD880  }
0x6c: {  	_ =	sfence.sel $0x180000  }
0x6d: {  	[bflag:$0x0] =	sbarrier.arrive $0xFFFF  }
0x6e: {  	p0 =	sne.s32 s0, $0x0;
	_ =	strace $0x90000047  }
0x6f: {  	s0 =	sadd.s32 @!p0 $0x100000, s1;
	[bflag:$0x2] =	sbarrier.arrive $0xFFFF  }
0x70: {  	[sflag:s0] =	ssyncadd.tile.s32 @!p0 $0x1;
	_ =	shalt  }
.Lfunc_end2:
_tile_overlayer_lowered:
.L_overlay_start_2:
0x71: {  	(tag) =	ssettag $0x2  }
0x72: {  	s0 =	rddreg [dreg:$0x0];
	s2 =	stileid.u32  }
0x73: {  	s1 =	rddreg [dreg:$0x1];
	p0 =	sne.s32 s2, $0x0  }
0x74: {  	s3 =	rddreg [dreg:$0x2];
	[bflag:$0x3] =	sbarrier.arrive $0xFFFF;
	s2 =	simm.s32 @!p0 $0x1C02  }
0x75: {  	[timem:s3], [sflag:s2] =	dma.local @!p0 [hbm:s0], s1  }
0x76: {  	s0 =	simm.s32 @!p0 $0x2  }
0x77: {  	_ =	swait.ge @!p0 [sflag:s0], s1  }
0x78: {  	s1 =	ssub.s32 @!p0 $0x0, s1;
	[sflag:s0] =	ssyncset.done @!p0 $0x0  }
0x79: {  	[sflag:s0] =	ssyncadd.s32 @!p0 s1  }
0x7a: {  	[bflag:$0x3] =	sbarrier.arrive $0xFFFF  }
0x7b: {  	_ =	shalt  }

</sc_bundles>
